<compile_context>
chip_gen: v7x
topology: tpu7x:2x2x1
jax: 0.10.2.dev20260603
libtpu: 0.0.44.dev20260713+nightly
codegen_flags: <defaults>
</compile_context>

<pallas_src>
import functools

import jax
import jax.numpy as jnp
from jax import lax
from jax.experimental import pallas as pl
from jax.experimental.pallas import tpu as pltpu
from jax.experimental.pallas import tpu_sc as plsc

LANES = 16
TILE_W = 128


def _make_gather(b: int, k: int, n: int):
    info = plsc.get_sparse_core_info()
    nc, ns = info.num_cores, info.num_subcores
    nw = nc * ns
    b_per_w = b // nw
    n_groups = b_per_w // LANES
    mesh = plsc.VectorSubcoreMesh(core_axis_name="c", subcore_axis_name="s")

    @functools.partial(
        pl.kernel,
        mesh=mesh,
        out_type=jax.ShapeDtypeStruct((k, b), jnp.float32),
        scratch_types=[
            pltpu.VMEM((b_per_w,), jnp.int32),
            pltpu.VMEM((LANES, k, TILE_W), jnp.float32),
            pltpu.VMEM((k, b_per_w), jnp.float32),
            pltpu.SemaphoreType.DMA,
        ],
        compiler_params=pltpu.CompilerParams(
            disable_bounds_checks=True, needs_layout_passes=False
        ),
    )
    def gather_kernel(table_hbm, idx_hbm, out_hbm, idx_v, blk_v, cols_v, sem):
        wid = lax.axis_index("s") * nc + lax.axis_index("c")
        base = wid * b_per_w
        pltpu.sync_copy(idx_hbm.at[pl.ds(base, b_per_w)], idx_v)
        lane_iota = lax.iota(jnp.int32, LANES)

        def body(g, carry):
            vec = idx_v[pl.ds(g * LANES, LANES)]
            copies = []
            for l in range(LANES):
                idx_l = lax.squeeze(lax.slice(vec, (l,), (l + 1,)), (0,))
                toff = pl.multiple_of(
                    (idx_l // TILE_W) * TILE_W, TILE_W
                )
                copies.append(
                    pltpu.async_copy(
                        table_hbm.at[:, pl.ds(toff, TILE_W)],
                        blk_v.at[l],
                        sem,
                    )
                )
            for c in copies:
                c.wait()
            cvec = lax.rem(vec, TILE_W)
            obase = g * LANES
            for j in range(k):
                jvec = jnp.full((LANES,), j, jnp.int32)
                vals = plsc.load_gather(blk_v, [lane_iota, jvec, cvec])
                plsc.store_scatter(
                    cols_v, [jvec, lane_iota + obase], vals
                )
            return carry

        lax.fori_loop(0, n_groups, body, 0)
        pltpu.sync_copy(
            cols_v, out_hbm.at[:, pl.ds(pl.multiple_of(base, TILE_W), b_per_w)]
        )

    return gather_kernel


def kernel(indices, values):
    idx = indices.astype(jnp.int32)
    n, k = values.shape
    out_t = _make_gather(indices.shape[0], k, n)(values.T, idx)
    return out_t.T

# --- scband reference (transcript-rebuilt; emitter-appended) ---
"""Pipeline reference for scband-select-13649406067371 (READ-ONLY COPY).

The authoritative reference and input builder live on the scoring server;
editing this copy changes nothing except your own understanding.
"""

import jax, jax.numpy as jnp
import numpy as np
import math

N = 1000000
K = 32
B = 16384

def setup_inputs(seed: int = 0) -> dict:
    key = jax.random.key(seed)
    k1, k2 = jax.random.split(key)
    indices = jax.random.randint(k1, (B,), 0, N, dtype=jnp.int64)
    values = jax.random.normal(k2, (N, K), dtype=jnp.float32) / math.sqrt(N * K)
    return {"indices": indices, "values": values}

def reference(indices, values):
    # Select.forward: self.values[indices, :]
    return jnp.take(values, indices, axis=0)

if __name__ == "__main__":
    import jax
    _d = setup_inputs()
    print(jax.jit(kernel)(*tuple(_d.values())))

</pallas_src>

<mosaic_0001>
#map = affine_map<(d0, d1) -> (0, 0)>
#map1 = affine_map<(d0, d1) -> (0)>
module attributes {stable_mosaic.version = 14 : i64} {
  func.func @gather_kernel(%arg0: i32, %arg1: i32, %arg2: memref<32x1000000xf32, #tpu.memory_space<hbm>>, %arg3: memref<16384xi32, #tpu.memory_space<hbm>>, %arg4: memref<32x16384xf32, #tpu.memory_space<hbm>>, %arg5: memref<512xi32, #tpu.memory_space<vmem>>, %arg6: memref<16x32x128xf32, #tpu.memory_space<vmem>>, %arg7: memref<32x512xf32, #tpu.memory_space<vmem>>, %arg8: memref<!tpu.dma_semaphore, #tpu.memory_space<semaphore_mem>>) attributes {dimension_semantics = [#tpu.dimension_semantics<core_parallel>, #tpu.dimension_semantics<subcore_parallel>], iteration_bounds = array<i64: 2, 16>, scalar_prefetch = 0 : i64, scratch_operands = 4 : i64, tpu.core_type = #tpu.core_type<sc_vector_subcore>, window_params = [{transform_indices = #map}, {transform_indices = #map1}, {transform_indices = #map}]} {
    %mul3A = arith.constant 2 : i32
    %mul3A_0 = arith.muli %arg1, %mul3A : i32
    %add3A = arith.addi %mul3A_0, %arg0 : i32
    %mul3A_1 = arith.constant 512 : i32
    %mul3A_2 = arith.muli %add3A, %mul3A_1 : i32
    "tpu.region"() ({
      %run_scoped3A = tpu.sem_alloc : memref<!tpu.dma_semaphore, #tpu.memory_space<semaphore_mem>>
      %dma_start3A = tpu.memref_slice %arg3[%mul3A_2] : memref<16384xi32, #tpu.memory_space<hbm>> -> memref<512xi32, #tpu.memory_space<hbm>>
      %dma_start3A_8 = tpu.memref_slice %arg3[%mul3A_2] : memref<16384xi32, #tpu.memory_space<hbm>> -> memref<512xi32, #tpu.memory_space<hbm>>
      tpu.enqueue_dma source(%dma_start3A_8 : memref<512xi32, #tpu.memory_space<hbm>>) target(%arg5 : memref<512xi32, #tpu.memory_space<vmem>>) target_semaphore(%run_scoped3A : memref<!tpu.dma_semaphore, #tpu.memory_space<semaphore_mem>>)
      %dma_wait3A = tpu.memref_slice %arg3[%mul3A_2] : memref<16384xi32, #tpu.memory_space<hbm>> -> memref<512xi32, #tpu.memory_space<hbm>>
      %dma_wait3A_9 = tpu.memref_slice %arg3[%mul3A_2] : memref<16384xi32, #tpu.memory_space<hbm>> -> memref<512xi32, #tpu.memory_space<hbm>>
      tpu.wait_dma2 semaphore(%run_scoped3A : memref<!tpu.dma_semaphore, #tpu.memory_space<semaphore_mem>>) src(%dma_wait3A_9 : memref<512xi32, #tpu.memory_space<hbm>>) dst(%arg5 : memref<512xi32, #tpu.memory_space<vmem>>)
      tpu.yield
    }) : () -> ()
    %iota3A = tpu.iota {dimensions = array<i32: 0>} : vector<16xi32>
    %scan3A = arith.constant 0 : i32
    %scan3A_3 = arith.constant 0 : i32
    %scan3A_4 = arith.constant 32 : i32
    %scan3A_5 = arith.addi %scan3A_3, %scan3A_4 : i32
    %scan3A_6 = arith.constant 1 : i32
    scf.for %scan3A_8 = %scan3A_3 to %scan3A_5 step %scan3A_6  : i32 {
      %mul3A_9 = arith.constant 16 : i32
      %mul3A_10 = arith.muli %scan3A_8, %mul3A_9 : i32
      %get3A = arith.index_cast %mul3A_10 : i32 to index
      %get3A_11 = tpu.vector_load %arg5[%get3A] {strides = array<i32>} : memref<512xi32, #tpu.memory_space<vmem>>, vector<16xi32>,
      %slice3A = vector.extract_strided_slice %get3A_11 {offsets = [0], sizes = [1], strides = [1]} : vector<16xi32> to vector<1xi32>
      %squeeze3A = vector.extract %slice3A[0] : i32 from vector<1xi32>
      %jit3A = arith.constant 128 : i32
      %div3A = arith.divsi %squeeze3A, %jit3A : i32
      %sign3A = arith.constant 0 : i32
      %sign3A_12 = arith.cmpi sgt, %squeeze3A, %sign3A : i32
      %sign3A_13 = arith.extui %sign3A_12 : i1 to i32
      %sign3A_14 = arith.constant 0 : i32
      %sign3A_15 = arith.cmpi slt, %squeeze3A, %sign3A_14 : i32
      %sign3A_16 = arith.extui %sign3A_15 : i1 to i32
      %sign3A_17 = arith.subi %sign3A_13, %sign3A_16 : i32
      %sign3A_18 = arith.constant 0 : i32
      %sign3A_19 = arith.cmpi sgt, %jit3A, %sign3A_18 : i32
      %sign3A_20 = arith.extui %sign3A_19 : i1 to i32
      %sign3A_21 = arith.constant 0 : i32
      %sign3A_22 = arith.cmpi slt, %jit3A, %sign3A_21 : i32
      %sign3A_23 = arith.extui %sign3A_22 : i1 to i32
      %sign3A_24 = arith.subi %sign3A_20, %sign3A_23 : i32
      %ne3A = arith.cmpi ne, %sign3A_17, %sign3A_24 : i32
      %rem3A = arith.remsi %squeeze3A, %jit3A : i32
      %ne3A_25 = arith.constant 0 : i32
      %ne3A_26 = arith.cmpi ne, %rem3A, %ne3A_25 : i32
      %and3A = arith.andi %ne3A, %ne3A_26 : i1
      %sub3A = arith.constant 1 : i32
      %sub3A_27 = arith.subi %div3A, %sub3A : i32
      %select_n3A = arith.select %and3A, %sub3A_27, %div3A : i32
      %mul3A_28 = arith.constant 128 : i32
      %mul3A_29 = arith.muli %select_n3A, %mul3A_28 : i32
      %multiple_of3A_30 = tpu.assume_multiple %mul3A_29, 128 : i32
      %dma_start3A = arith.constant 0 : i32
      %dma_start3A_31 = arith.constant 0 : i32
      %dma_start3A_32 = arith.constant 0 : i32
      %dma_start3A_33 = tpu.memref_slice %arg6[%dma_start3A, %dma_start3A_31, %dma_start3A_32] : memref<16x32x128xf32, #tpu.memory_space<vmem>> -> memref<1x32x128xf32, #tpu.memory_space<vmem>>
      %dma_start3A_34 = tpu.memref_squeeze %dma_start3A_33 : memref<1x32x128xf32, #tpu.memory_space<vmem>> -> memref<32x128xf32, #tpu.memory_space<vmem>>
      %dma_start3A_35 = arith.constant 0 : i32
      %dma_start3A_36 = tpu.memref_slice %arg2[%dma_start3A_35, %multiple_of3A_30] : memref<32x1000000xf32, #tpu.memory_space<hbm>> -> memref<32x128xf32, #tpu.memory_space<hbm>>
      %dma_start3A_37 = arith.constant 0 : i32
      %dma_start3A_38 = arith.constant 0 : i32
      %dma_start3A_39 = tpu.memref_slice %arg6[%dma_start3A, %dma_start3A_37, %dma_start3A_38] : memref<16x32x128xf32, #tpu.memory_space<vmem>> -> memref<1x32x128xf32, #tpu.memory_space<vmem>>
      %dma_start3A_40 = tpu.memref_squeeze %dma_start3A_39 : memref<1x32x128xf32, #tpu.memory_space<vmem>> -> memref<32x128xf32, #tpu.memory_space<vmem>>
      %dma_start3A_41 = arith.constant 0 : i32
      %dma_start3A_42 = tpu.memref_slice %arg2[%dma_start3A_41, %multiple_of3A_30] : memref<32x1000000xf32, #tpu.memory_space<hbm>> -> memref<32x128xf32, #tpu.memory_space<hbm>>
      tpu.enqueue_dma source(%dma_start3A_42 : memref<32x128xf32, #tpu.memory_space<hbm>>) target(%dma_start3A_40 : memref<32x128xf32, #tpu.memory_space<vmem>>) target_semaphore(%arg8 : memref<!tpu.dma_semaphore, #tpu.memory_space<semaphore_mem>>)
      %slice3A_43 = vector.extract_strided_slice %get3A_11 {offsets = [1], sizes = [1], strides = [1]} : vector<16xi32> to vector<1xi32>
      %squeeze3A_44 = vector.extract %slice3A_43[0] : i32 from vector<1xi32>
      %jit3A_45 = arith.constant 128 : i32
      %div3A_46 = arith.divsi %squeeze3A_44, %jit3A_45 : i32
      %sign3A_47 = arith.constant 0 : i32
      %sign3A_48 = arith.cmpi sgt, %squeeze3A_44, %sign3A_47 : i32
      %sign3A_49 = arith.extui %sign3A_48 : i1 to i32
      %sign3A_50 = arith.constant 0 : i32
      %sign3A_51 = arith.cmpi slt, %squeeze3A_44, %sign3A_50 : i32
      %sign3A_52 = arith.extui %sign3A_51 : i1 to i32
      %sign3A_53 = arith.subi %sign3A_49, %sign3A_52 : i32
      %sign3A_54 = arith.constant 0 : i32
      %sign3A_55 = arith.cmpi sgt, %jit3A_45, %sign3A_54 : i32
      %sign3A_56 = arith.extui %sign3A_55 : i1 to i32
      %sign3A_57 = arith.constant 0 : i32
      %sign3A_58 = arith.cmpi slt, %jit3A_45, %sign3A_57 : i32
      %sign3A_59 = arith.extui %sign3A_58 : i1 to i32
      %sign3A_60 = arith.subi %sign3A_56, %sign3A_59 : i32
      %ne3A_61 = arith.cmpi ne, %sign3A_53, %sign3A_60 : i32
      %rem3A_62 = arith.remsi %squeeze3A_44, %jit3A_45 : i32
      %ne3A_63 = arith.constant 0 : i32
      %ne3A_64 = arith.cmpi ne, %rem3A_62, %ne3A_63 : i32
      %and3A_65 = arith.andi %ne3A_61, %ne3A_64 : i1
      %sub3A_66 = arith.constant 1 : i32
      %sub3A_67 = arith.subi %div3A_46, %sub3A_66 : i32
      %select_n3A_68 = arith.select %and3A_65, %sub3A_67, %div3A_46 : i32
      %mul3A_69 = arith.constant 128 : i32
      %mul3A_70 = arith.muli %select_n3A_68, %mul3A_69 : i32
      %multiple_of3A_71 = tpu.assume_multiple %mul3A_70, 128 : i32
      %dma_start3A_72 = arith.constant 1 : i32
      %dma_start3A_73 = arith.constant 0 : i32
      %dma_start3A_74 = arith.constant 0 : i32
      %dma_start3A_75 = tpu.memref_slice %arg6[%dma_start3A_72, %dma_start3A_73, %dma_start3A_74] : memref<16x32x128xf32, #tpu.memory_space<vmem>> -> memref<1x32x128xf32, #tpu.memory_space<vmem>>
      %dma_start3A_76 = tpu.memref_squeeze %dma_start3A_75 : memref<1x32x128xf32, #tpu.memory_space<vmem>> -> memref<32x128xf32, #tpu.memory_space<vmem>>
      %dma_start3A_77 = arith.constant 0 : i32
      %dma_start3A_78 = tpu.memref_slice %arg2[%dma_start3A_77, %multiple_of3A_71] : memref<32x1000000xf32, #tpu.memory_space<hbm>> -> memref<32x128xf32, #tpu.memory_space<hbm>>
      %dma_start3A_79 = arith.constant 0 : i32
      %dma_start3A_80 = arith.constant 0 : i32
      %dma_start3A_81 = tpu.memref_slice %arg6[%dma_start3A_72, %dma_start3A_79, %dma_start3A_80] : memref<16x32x128xf32, #tpu.memory_space<vmem>> -> memref<1x32x128xf32, #tpu.memory_space<vmem>>
      %dma_start3A_82 = tpu.memref_squeeze %dma_start3A_81 : memref<1x32x128xf32, #tpu.memory_space<vmem>> -> memref<32x128xf32, #tpu.memory_space<vmem>>
      %dma_start3A_83 = arith.constant 0 : i32
      %dma_start3A_84 = tpu.memref_slice %arg2[%dma_start3A_83, %multiple_of3A_71] : memref<32x1000000xf32, #tpu.memory_space<hbm>> -> memref<32x128xf32, #tpu.memory_space<hbm>>
      tpu.enqueue_dma source(%dma_start3A_84 : memref<32x128xf32, #tpu.memory_space<hbm>>) target(%dma_start3A_82 : memref<32x128xf32, #tpu.memory_space<vmem>>) target_semaphore(%arg8 : memref<!tpu.dma_semaphore, #tpu.memory_space<semaphore_mem>>)
      %slice3A_85 = vector.extract_strided_slice %get3A_11 {offsets = [2], sizes = [1], strides = [1]} : vector<16xi32> to vector<1xi32>
      %squeeze3A_86 = vector.extract %slice3A_85[0] : i32 from vector<1xi32>
      %jit3A_87 = arith.constant 128 : i32
      %div3A_88 = arith.divsi %squeeze3A_86, %jit3A_87 : i32
      %sign3A_89 = arith.constant 0 : i32
      %sign3A_90 = arith.cmpi sgt, %squeeze3A_86, %sign3A_89 : i32
      %sign3A_91 = arith.extui %sign3A_90 : i1 to i32
      %sign3A_92 = arith.constant 0 : i32
      %sign3A_93 = arith.cmpi slt, %squeeze3A_86, %sign3A_92 : i32
      %sign3A_94 = arith.extui %sign3A_93 : i1 to i32
      %sign3A_95 = arith.subi %sign3A_91, %sign3A_94 : i32
      %sign3A_96 = arith.constant 0 : i32
      %sign3A_97 = arith.cmpi sgt, %jit3A_87, %sign3A_96 : i32
      %sign3A_98 = arith.extui %sign3A_97 : i1 to i32
      %sign3A_99 = arith.constant 0 : i32
      %sign3A_100 = arith.cmpi slt, %jit3A_87, %sign3A_99 : i32
      %sign3A_101 = arith.extui %sign3A_100 : i1 to i32
      %sign3A_102 = arith.subi %sign3A_98, %sign3A_101 : i32
      %ne3A_103 = arith.cmpi ne, %sign3A_95, %sign3A_102 : i32
      %rem3A_104 = arith.remsi %squeeze3A_86, %jit3A_87 : i32
      %ne3A_105 = arith.constant 0 : i32
      %ne3A_106 = arith.cmpi ne, %rem3A_104, %ne3A_105 : i32
      %and3A_107 = arith.andi %ne3A_103, %ne3A_106 : i1
      %sub3A_108 = arith.constant 1 : i32
      %sub3A_109 = arith.subi %div3A_88, %sub3A_108 : i32
      %select_n3A_110 = arith.select %and3A_107, %sub3A_109, %div3A_88 : i32
      %mul3A_111 = arith.constant 128 : i32
      %mul3A_112 = arith.muli %select_n3A_110, %mul3A_111 : i32
      %multiple_of3A_113 = tpu.assume_multiple %mul3A_112, 128 : i32
      %dma_start3A_114 = arith.constant 2 : i32
      %dma_start3A_115 = arith.constant 0 : i32
      %dma_start3A_116 = arith.constant 0 : i32
      %dma_start3A_117 = tpu.memref_slice %arg6[%dma_start3A_114, %dma_start3A_115, %dma_start3A_116] : memref<16x32x128xf32, #tpu.memory_space<vmem>> -> memref<1x32x128xf32, #tpu.memory_space<vmem>>
      %dma_start3A_118 = tpu.memref_squeeze %dma_start3A_117 : memref<1x32x128xf32, #tpu.memory_space<vmem>> -> memref<32x128xf32, #tpu.memory_space<vmem>>
      %dma_start3A_119 = arith.constant 0 : i32
      %dma_start3A_120 = tpu.memref_slice %arg2[%dma_start3A_119, %multiple_of3A_113] : memref<32x1000000xf32, #tpu.memory_space<hbm>> -> memref<32x128xf32, #tpu.memory_space<hbm>>
      %dma_start3A_121 = arith.constant 0 : i32
      %dma_start3A_122 = arith.constant 0 : i32
      %dma_start3A_123 = tpu.memref_slice %arg6[%dma_start3A_114, %dma_start3A_121, %dma_start3A_122] : memref<16x32x128xf32, #tpu.memory_space<vmem>> -> memref<1x32x128xf32, #tpu.memory_space<vmem>>
      %dma_start3A_124 = tpu.memref_squeeze %dma_start3A_123 : memref<1x32x128xf32, #tpu.memory_space<vmem>> -> memref<32x128xf32, #tpu.memory_space<vmem>>
      %dma_start3A_125 = arith.constant 0 : i32
      %dma_start3A_126 = tpu.memref_slice %arg2[%dma_start3A_125, %multiple_of3A_113] : memref<32x1000000xf32, #tpu.memory_space<hbm>> -> memref<32x128xf32, #tpu.memory_space<hbm>>
      tpu.enqueue_dma source(%dma_start3A_126 : memref<32x128xf32, #tpu.memory_space<hbm>>) target(%dma_start3A_124 : memref<32x128xf32, #tpu.memory_space<vmem>>) target_semaphore(%arg8 : memref<!tpu.dma_semaphore, #tpu.memory_space<semaphore_mem>>)
      %slice3A_127 = vector.extract_strided_slice %get3A_11 {offsets = [3], sizes = [1], strides = [1]} : vector<16xi32> to vector<1xi32>
      %squeeze3A_128 = vector.extract %slice3A_127[0] : i32 from vector<1xi32>
      %jit3A_129 = arith.constant 128 : i32
      %div3A_130 = arith.divsi %squeeze3A_128, %jit3A_129 : i32
      %sign3A_131 = arith.constant 0 : i32
      %sign3A_132 = arith.cmpi sgt, %squeeze3A_128, %sign3A_131 : i32
      %sign3A_133 = arith.extui %sign3A_132 : i1 to i32
      %sign3A_134 = arith.constant 0 : i32
      %sign3A_135 = arith.cmpi slt, %squeeze3A_128, %sign3A_134 : i32
      %sign3A_136 = arith.extui %sign3A_135 : i1 to i32
      %sign3A_137 = arith.subi %sign3A_133, %sign3A_136 : i32
      %sign3A_138 = arith.constant 0 : i32
      %sign3A_139 = arith.cmpi sgt, %jit3A_129, %sign3A_138 : i32
      %sign3A_140 = arith.extui %sign3A_139 : i1 to i32
      %sign3A_141 = arith.constant 0 : i32
      %sign3A_142 = arith.cmpi slt, %jit3A_129, %sign3A_141 : i32
      %sign3A_143 = arith.extui %sign3A_142 : i1 to i32
      %sign3A_144 = arith.subi %sign3A_140, %sign3A_143 : i32
      %ne3A_145 = arith.cmpi ne, %sign3A_137, %sign3A_144 : i32
      %rem3A_146 = arith.remsi %squeeze3A_128, %jit3A_129 : i32
      %ne3A_147 = arith.constant 0 : i32
      %ne3A_148 = arith.cmpi ne, %rem3A_146, %ne3A_147 : i32
      %and3A_149 = arith.andi %ne3A_145, %ne3A_148 : i1
      %sub3A_150 = arith.constant 1 : i32
      %sub3A_151 = arith.subi %div3A_130, %sub3A_150 : i32
      %select_n3A_152 = arith.select %and3A_149, %sub3A_151, %div3A_130 : i32
      %mul3A_153 = arith.constant 128 : i32
      %mul3A_154 = arith.muli %select_n3A_152, %mul3A_153 : i32
      %multiple_of3A_155 = tpu.assume_multiple %mul3A_154, 128 : i32
      %dma_start3A_156 = arith.constant 3 : i32
      %dma_start3A_157 = arith.constant 0 : i32
      %dma_start3A_158 = arith.constant 0 : i32
      %dma_start3A_159 = tpu.memref_slice %arg6[%dma_start3A_156, %dma_start3A_157, %dma_start3A_158] : memref<16x32x128xf32, #tpu.memory_space<vmem>> -> memref<1x32x128xf32, #tpu.memory_space<vmem>>
      %dma_start3A_160 = tpu.memref_squeeze %dma_start3A_159 : memref<1x32x128xf32, #tpu.memory_space<vmem>> -> memref<32x128xf32, #tpu.memory_space<vmem>>
      %dma_start3A_161 = arith.constant 0 : i32
      %dma_start3A_162 = tpu.memref_slice %arg2[%dma_start3A_161, %multiple_of3A_155] : memref<32x1000000xf32, #tpu.memory_space<hbm>> -> memref<32x128xf32, #tpu.memory_space<hbm>>
      %dma_start3A_163 = arith.constant 0 : i32
      %dma_start3A_164 = arith.constant 0 : i32
      %dma_start3A_165 = tpu.memref_slice %arg6[%dma_start3A_156, %dma_start3A_163, %dma_start3A_164] : memref<16x32x128xf32, #tpu.memory_space<vmem>> -> memref<1x32x128xf32, #tpu.memory_space<vmem>>
      %dma_start3A_166 = tpu.memref_squeeze %dma_start3A_165 : memref<1x32x128xf32, #tpu.memory_space<vmem>> -> memref<32x128xf32, #tpu.memory_space<vmem>>
      %dma_start3A_167 = arith.constant 0 : i32
      %dma_start3A_168 = tpu.memref_slice %arg2[%dma_start3A_167, %multiple_of3A_155] : memref<32x1000000xf32, #tpu.memory_space<hbm>> -> memref<32x128xf32, #tpu.memory_space<hbm>>
      tpu.enqueue_dma source(%dma_start3A_168 : memref<32x128xf32, #tpu.memory_space<hbm>>) target(%dma_start3A_166 : memref<32x128xf32, #tpu.memory_space<vmem>>) target_semaphore(%arg8 : memref<!tpu.dma_semaphore, #tpu.memory_space<semaphore_mem>>)
      %slice3A_169 = vector.extract_strided_slice %get3A_11 {offsets = [4], sizes = [1], strides = [1]} : vector<16xi32> to vector<1xi32>
      %squeeze3A_170 = vector.extract %slice3A_169[0] : i32 from vector<1xi32>
      %jit3A_171 = arith.constant 128 : i32
      %div3A_172 = arith.divsi %squeeze3A_170, %jit3A_171 : i32
      %sign3A_173 = arith.constant 0 : i32
      %sign3A_174 = arith.cmpi sgt, %squeeze3A_170, %sign3A_173 : i32
      %sign3A_175 = arith.extui %sign3A_174 : i1 to i32
      %sign3A_176 = arith.constant 0 : i32
      %sign3A_177 = arith.cmpi slt, %squeeze3A_170, %sign3A_176 : i32
      %sign3A_178 = arith.extui %sign3A_177 : i1 to i32
      %sign3A_179 = arith.subi %sign3A_175, %sign3A_178 : i32
      %sign3A_180 = arith.constant 0 : i32
      %sign3A_181 = arith.cmpi sgt, %jit3A_171, %sign3A_180 : i32
      %sign3A_182 = arith.extui %sign3A_181 : i1 to i32
      %sign3A_183 = arith.constant 0 : i32
      %sign3A_184 = arith.cmpi slt, %jit3A_171, %sign3A_183 : i32
      %sign3A_185 = arith.extui %sign3A_184 : i1 to i32
      %sign3A_186 = arith.subi %sign3A_182, %sign3A_185 : i32
      %ne3A_187 = arith.cmpi ne, %sign3A_179, %sign3A_186 : i32
      %rem3A_188 = arith.remsi %squeeze3A_170, %jit3A_171 : i32
      %ne3A_189 = arith.constant 0 : i32
      %ne3A_190 = arith.cmpi ne, %rem3A_188, %ne3A_189 : i32
      %and3A_191 = arith.andi %ne3A_187, %ne3A_190 : i1
      %sub3A_192 = arith.constant 1 : i32
      %sub3A_193 = arith.subi %div3A_172, %sub3A_192 : i32
      %select_n3A_194 = arith.select %and3A_191, %sub3A_193, %div3A_172 : i32
      %mul3A_195 = arith.constant 128 : i32
      %mul3A_196 = arith.muli %select_n3A_194, %mul3A_195 : i32
      %multiple_of3A_197 = tpu.assume_multiple %mul3A_196, 128 : i32
      %dma_start3A_198 = arith.constant 4 : i32
      %dma_start3A_199 = arith.constant 0 : i32
      %dma_start3A_200 = arith.constant 0 : i32
      %dma_start3A_201 = tpu.memref_slice %arg6[%dma_start3A_198, %dma_start3A_199, %dma_start3A_200] : memref<16x32x128xf32, #tpu.memory_space<vmem>> -> memref<1x32x128xf32, #tpu.memory_space<vmem>>
      %dma_start3A_202 = tpu.memref_squeeze %dma_start3A_201 : memref<1x32x128xf32, #tpu.memory_space<vmem>> -> memref<32x128xf32, #tpu.memory_space<vmem>>
      %dma_start3A_203 = arith.constant 0 : i32
      %dma_start3A_204 = tpu.memref_slice %arg2[%dma_start3A_203, %multiple_of3A_197] : memref<32x1000000xf32, #tpu.memory_space<hbm>> -> memref<32x128xf32, #tpu.memory_space<hbm>>
      %dma_start3A_205 = arith.constant 0 : i32
      %dma_start3A_206 = arith.constant 0 : i32
      %dma_start3A_207 = tpu.memref_slice %arg6[%dma_start3A_198, %dma_start3A_205, %dma_start3A_206] : memref<16x32x128xf32, #tpu.memory_space<vmem>> -> memref<1x32x128xf32, #tpu.memory_space<vmem>>
      %dma_start3A_208 = tpu.memref_squeeze %dma_start3A_207 : memref<1x32x128xf32, #tpu.memory_space<vmem>> -> memref<32x128xf32, #tpu.memory_space<vmem>>
      %dma_start3A_209 = arith.constant 0 : i32
      %dma_start3A_210 = tpu.memref_slice %arg2[%dma_start3A_209, %multiple_of3A_197] : memref<32x1000000xf32, #tpu.memory_space<hbm>> -> memref<32x128xf32, #tpu.memory_space<hbm>>
      tpu.enqueue_dma source(%dma_start3A_210 : memref<32x128xf32, #tpu.memory_space<hbm>>) target(%dma_start3A_208 : memref<32x128xf32, #tpu.memory_space<vmem>>) target_semaphore(%arg8 : memref<!tpu.dma_semaphore, #tpu.memory_space<semaphore_mem>>)
      %slice3A_211 = vector.extract_strided_slice %get3A_11 {offsets = [5], sizes = [1], strides = [1]} : vector<16xi32> to vector<1xi32>
      %squeeze3A_212 = vector.extract %slice3A_211[0] : i32 from vector<1xi32>
      %jit3A_213 = arith.constant 128 : i32
      %div3A_214 = arith.divsi %squeeze3A_212, %jit3A_213 : i32
      %sign3A_215 = arith.constant 0 : i32
      %sign3A_216 = arith.cmpi sgt, %squeeze3A_212, %sign3A_215 : i32
      %sign3A_217 = arith.extui %sign3A_216 : i1 to i32
      %sign3A_218 = arith.constant 0 : i32
      %sign3A_219 = arith.cmpi slt, %squeeze3A_212, %sign3A_218 : i32
      %sign3A_220 = arith.extui %sign3A_219 : i1 to i32
      %sign3A_221 = arith.subi %sign3A_217, %sign3A_220 : i32
      %sign3A_222 = arith.constant 0 : i32
      %sign3A_223 = arith.cmpi sgt, %jit3A_213, %sign3A_222 : i32
      %sign3A_224 = arith.extui %sign3A_223 : i1 to i32
      %sign3A_225 = arith.constant 0 : i32
      %sign3A_226 = arith.cmpi slt, %jit3A_213, %sign3A_225 : i32
      %sign3A_227 = arith.extui %sign3A_226 : i1 to i32
      %sign3A_228 = arith.subi %sign3A_224, %sign3A_227 : i32
      %ne3A_229 = arith.cmpi ne, %sign3A_221, %sign3A_228 : i32
      %rem3A_230 = arith.remsi %squeeze3A_212, %jit3A_213 : i32
      %ne3A_231 = arith.constant 0 : i32
      %ne3A_232 = arith.cmpi ne, %rem3A_230, %ne3A_231 : i32
      %and3A_233 = arith.andi %ne3A_229, %ne3A_232 : i1
      %sub3A_234 = arith.constant 1 : i32
      %sub3A_235 = arith.subi %div3A_214, %sub3A_234 : i32
      %select_n3A_236 = arith.select %and3A_233, %sub3A_235, %div3A_214 : i32
      %mul3A_237 = arith.constant 128 : i32
      %mul3A_238 = arith.muli %select_n3A_236, %mul3A_237 : i32
      %multiple_of3A_239 = tpu.assume_multiple %mul3A_238, 128 : i32
      %dma_start3A_240 = arith.constant 5 : i32
      %dma_start3A_241 = arith.constant 0 : i32
      %dma_start3A_242 = arith.constant 0 : i32
      %dma_start3A_243 = tpu.memref_slice %arg6[%dma_start3A_240, %dma_start3A_241, %dma_start3A_242] : memref<16x32x128xf32, #tpu.memory_space<vmem>> -> memref<1x32x128xf32, #tpu.memory_space<vmem>>
      %dma_start3A_244 = tpu.memref_squeeze %dma_start3A_243 : memref<1x32x128xf32, #tpu.memory_space<vmem>> -> memref<32x128xf32, #tpu.memory_space<vmem>>
      %dma_start3A_245 = arith.constant 0 : i32
      %dma_start3A_246 = tpu.memref_slice %arg2[%dma_start3A_245, %multiple_of3A_239] : memref<32x1000000xf32, #tpu.memory_space<hbm>> -> memref<32x128xf32, #tpu.memory_space<hbm>>
      %dma_start3A_247 = arith.constant 0 : i32
      %dma_start3A_248 = arith.constant 0 : i32
      %dma_start3A_249 = tpu.memref_slice %arg6[%dma_start3A_240, %dma_start3A_247, %dma_start3A_248] : memref<16x32x128xf32, #tpu.memory_space<vmem>> -> memref<1x32x128xf32, #tpu.memory_space<vmem>>
      %dma_start3A_250 = tpu.memref_squeeze %dma_start3A_249 : memref<1x32x128xf32, #tpu.memory_space<vmem>> -> memref<32x128xf32, #tpu.memory_space<vmem>>
      %dma_start3A_251 = arith.constant 0 : i32
      %dma_start3A_252 = tpu.memref_slice %arg2[%dma_start3A_251, %multiple_of3A_239] : memref<32x1000000xf32, #tpu.memory_space<hbm>> -> memref<32x128xf32, #tpu.memory_space<hbm>>
      tpu.enqueue_dma source(%dma_start3A_252 : memref<32x128xf32, #tpu.memory_space<hbm>>) target(%dma_start3A_250 : memref<32x128xf32, #tpu.memory_space<vmem>>) target_semaphore(%arg8 : memref<!tpu.dma_semaphore, #tpu.memory_space<semaphore_mem>>)
      %slice3A_253 = vector.extract_strided_slice %get3A_11 {offsets = [6], sizes = [1], strides = [1]} : vector<16xi32> to vector<1xi32>
      %squeeze3A_254 = vector.extract %slice3A_253[0] : i32 from vector<1xi32>
      %jit3A_255 = arith.constant 128 : i32
      %div3A_256 = arith.divsi %squeeze3A_254, %jit3A_255 : i32
      %sign3A_257 = arith.constant 0 : i32
      %sign3A_258 = arith.cmpi sgt, %squeeze3A_254, %sign3A_257 : i32
      %sign3A_259 = arith.extui %sign3A_258 : i1 to i32
      %sign3A_260 = arith.constant 0 : i32
      %sign3A_261 = arith.cmpi slt, %squeeze3A_254, %sign3A_260 : i32
      %sign3A_262 = arith.extui %sign3A_261 : i1 to i32
      %sign3A_263 = arith.subi %sign3A_259, %sign3A_262 : i32
      %sign3A_264 = arith.constant 0 : i32
      %sign3A_265 = arith.cmpi sgt, %jit3A_255, %sign3A_264 : i32
      %sign3A_266 = arith.extui %sign3A_265 : i1 to i32
      %sign3A_267 = arith.constant 0 : i32
      %sign3A_268 = arith.cmpi slt, %jit3A_255, %sign3A_267 : i32
      %sign3A_269 = arith.extui %sign3A_268 : i1 to i32
      %sign3A_270 = arith.subi %sign3A_266, %sign3A_269 : i32
      %ne3A_271 = arith.cmpi ne, %sign3A_263, %sign3A_270 : i32
      %rem3A_272 = arith.remsi %squeeze3A_254, %jit3A_255 : i32
      %ne3A_273 = arith.constant 0 : i32
      %ne3A_274 = arith.cmpi ne, %rem3A_272, %ne3A_273 : i32
      %and3A_275 = arith.andi %ne3A_271, %ne3A_274 : i1
      %sub3A_276 = arith.constant 1 : i32
      %sub3A_277 = arith.subi %div3A_256, %sub3A_276 : i32
      %select_n3A_278 = arith.select %and3A_275, %sub3A_277, %div3A_256 : i32
      %mul3A_279 = arith.constant 128 : i32
      %mul3A_280 = arith.muli %select_n3A_278, %mul3A_279 : i32
      %multiple_of3A_281 = tpu.assume_multiple %mul3A_280, 128 : i32
      %dma_start3A_282 = arith.constant 6 : i32
      %dma_start3A_283 = arith.constant 0 : i32
      %dma_start3A_284 = arith.constant 0 : i32
      %dma_start3A_285 = tpu.memref_slice %arg6[%dma_start3A_282, %dma_start3A_283, %dma_start3A_284] : memref<16x32x128xf32, #tpu.memory_space<vmem>> -> memref<1x32x128xf32, #tpu.memory_space<vmem>>
      %dma_start3A_286 = tpu.memref_squeeze %dma_start3A_285 : memref<1x32x128xf32, #tpu.memory_space<vmem>> -> memref<32x128xf32, #tpu.memory_space<vmem>>
      %dma_start3A_287 = arith.constant 0 : i32
      %dma_start3A_288 = tpu.memref_slice %arg2[%dma_start3A_287, %multiple_of3A_281] : memref<32x1000000xf32, #tpu.memory_space<hbm>> -> memref<32x128xf32, #tpu.memory_space<hbm>>
      %dma_start3A_289 = arith.constant 0 : i32
      %dma_start3A_290 = arith.constant 0 : i32
      %dma_start3A_291 = tpu.memref_slice %arg6[%dma_start3A_282, %dma_start3A_289, %dma_start3A_290] : memref<16x32x128xf32, #tpu.memory_space<vmem>> -> memref<1x32x128xf32, #tpu.memory_space<vmem>>
      %dma_start3A_292 = tpu.memref_squeeze %dma_start3A_291 : memref<1x32x128xf32, #tpu.memory_space<vmem>> -> memref<32x128xf32, #tpu.memory_space<vmem>>
      %dma_start3A_293 = arith.constant 0 : i32
      %dma_start3A_294 = tpu.memref_slice %arg2[%dma_start3A_293, %multiple_of3A_281] : memref<32x1000000xf32, #tpu.memory_space<hbm>> -> memref<32x128xf32, #tpu.memory_space<hbm>>
      tpu.enqueue_dma source(%dma_start3A_294 : memref<32x128xf32, #tpu.memory_space<hbm>>) target(%dma_start3A_292 : memref<32x128xf32, #tpu.memory_space<vmem>>) target_semaphore(%arg8 : memref<!tpu.dma_semaphore, #tpu.memory_space<semaphore_mem>>)
      %slice3A_295 = vector.extract_strided_slice %get3A_11 {offsets = [7], sizes = [1], strides = [1]} : vector<16xi32> to vector<1xi32>
      %squeeze3A_296 = vector.extract %slice3A_295[0] : i32 from vector<1xi32>
      %jit3A_297 = arith.constant 128 : i32
      %div3A_298 = arith.divsi %squeeze3A_296, %jit3A_297 : i32
      %sign3A_299 = arith.constant 0 : i32
      %sign3A_300 = arith.cmpi sgt, %squeeze3A_296, %sign3A_299 : i32
      %sign3A_301 = arith.extui %sign3A_300 : i1 to i32
      %sign3A_302 = arith.constant 0 : i32
      %sign3A_303 = arith.cmpi slt, %squeeze3A_296, %sign3A_302 : i32
      %sign3A_304 = arith.extui %sign3A_303 : i1 to i32
      %sign3A_305 = arith.subi %sign3A_301, %sign3A_304 : i32
      %sign3A_306 = arith.constant 0 : i32
      %sign3A_307 = arith.cmpi sgt, %jit3A_297, %sign3A_306 : i32
      %sign3A_308 = arith.extui %sign3A_307 : i1 to i32
      %sign3A_309 = arith.constant 0 : i32
      %sign3A_310 = arith.cmpi slt, %jit3A_297, %sign3A_309 : i32
      %sign3A_311 = arith.extui %sign3A_310 : i1 to i32
      %sign3A_312 = arith.subi %sign3A_308, %sign3A_311 : i32
      %ne3A_313 = arith.cmpi ne, %sign3A_305, %sign3A_312 : i32
      %rem3A_314 = arith.remsi %squeeze3A_296, %jit3A_297 : i32
      %ne3A_315 = arith.constant 0 : i32
      %ne3A_316 = arith.cmpi ne, %rem3A_314, %ne3A_315 : i32
      %and3A_317 = arith.andi %ne3A_313, %ne3A_316 : i1
      %sub3A_318 = arith.constant 1 : i32
      %sub3A_319 = arith.subi %div3A_298, %sub3A_318 : i32
      %select_n3A_320 = arith.select %and3A_317, %sub3A_319, %div3A_298 : i32
      %mul3A_321 = arith.constant 128 : i32
      %mul3A_322 = arith.muli %select_n3A_320, %mul3A_321 : i32
      %multiple_of3A_323 = tpu.assume_multiple %mul3A_322, 128 : i32
      %dma_start3A_324 = arith.constant 7 : i32
      %dma_start3A_325 = arith.constant 0 : i32
      %dma_start3A_326 = arith.constant 0 : i32
      %dma_start3A_327 = tpu.memref_slice %arg6[%dma_start3A_324, %dma_start3A_325, %dma_start3A_326] : memref<16x32x128xf32, #tpu.memory_space<vmem>> -> memref<1x32x128xf32, #tpu.memory_space<vmem>>
      %dma_start3A_328 = tpu.memref_squeeze %dma_start3A_327 : memref<1x32x128xf32, #tpu.memory_space<vmem>> -> memref<32x128xf32, #tpu.memory_space<vmem>>
      %dma_start3A_329 = arith.constant 0 : i32
      %dma_start3A_330 = tpu.memref_slice %arg2[%dma_start3A_329, %multiple_of3A_323] : memref<32x1000000xf32, #tpu.memory_space<hbm>> -> memref<32x128xf32, #tpu.memory_space<hbm>>
      %dma_start3A_331 = arith.constant 0 : i32
      %dma_start3A_332 = arith.constant 0 : i32
      %dma_start3A_333 = tpu.memref_slice %arg6[%dma_start3A_324, %dma_start3A_331, %dma_start3A_332] : memref<16x32x128xf32, #tpu.memory_space<vmem>> -> memref<1x32x128xf32, #tpu.memory_space<vmem>>
      %dma_start3A_334 = tpu.memref_squeeze %dma_start3A_333 : memref<1x32x128xf32, #tpu.memory_space<vmem>> -> memref<32x128xf32, #tpu.memory_space<vmem>>
      %dma_start3A_335 = arith.constant 0 : i32
      %dma_start3A_336 = tpu.memref_slice %arg2[%dma_start3A_335, %multiple_of3A_323] : memref<32x1000000xf32, #tpu.memory_space<hbm>> -> memref<32x128xf32, #tpu.memory_space<hbm>>
      tpu.enqueue_dma source(%dma_start3A_336 : memref<32x128xf32, #tpu.memory_space<hbm>>) target(%dma_start3A_334 : memref<32x128xf32, #tpu.memory_space<vmem>>) target_semaphore(%arg8 : memref<!tpu.dma_semaphore, #tpu.memory_space<semaphore_mem>>)
      %slice3A_337 = vector.extract_strided_slice %get3A_11 {offsets = [8], sizes = [1], strides = [1]} : vector<16xi32> to vector<1xi32>
      %squeeze3A_338 = vector.extract %slice3A_337[0] : i32 from vector<1xi32>
      %jit3A_339 = arith.constant 128 : i32
      %div3A_340 = arith.divsi %squeeze3A_338, %jit3A_339 : i32
      %sign3A_341 = arith.constant 0 : i32
      %sign3A_342 = arith.cmpi sgt, %squeeze3A_338, %sign3A_341 : i32
      %sign3A_343 = arith.extui %sign3A_342 : i1 to i32
      %sign3A_344 = arith.constant 0 : i32
      %sign3A_345 = arith.cmpi slt, %squeeze3A_338, %sign3A_344 : i32
      %sign3A_346 = arith.extui %sign3A_345 : i1 to i32
      %sign3A_347 = arith.subi %sign3A_343, %sign3A_346 : i32
      %sign3A_348 = arith.constant 0 : i32
      %sign3A_349 = arith.cmpi sgt, %jit3A_339, %sign3A_348 : i32
      %sign3A_350 = arith.extui %sign3A_349 : i1 to i32
      %sign3A_351 = arith.constant 0 : i32
      %sign3A_352 = arith.cmpi slt, %jit3A_339, %sign3A_351 : i32
      %sign3A_353 = arith.extui %sign3A_352 : i1 to i32
      %sign3A_354 = arith.subi %sign3A_350, %sign3A_353 : i32
      %ne3A_355 = arith.cmpi ne, %sign3A_347, %sign3A_354 : i32
      %rem3A_356 = arith.remsi %squeeze3A_338, %jit3A_339 : i32
      %ne3A_357 = arith.constant 0 : i32
      %ne3A_358 = arith.cmpi ne, %rem3A_356, %ne3A_357 : i32
      %and3A_359 = arith.andi %ne3A_355, %ne3A_358 : i1
      %sub3A_360 = arith.constant 1 : i32
      %sub3A_361 = arith.subi %div3A_340, %sub3A_360 : i32
      %select_n3A_362 = arith.select %and3A_359, %sub3A_361, %div3A_340 : i32
      %mul3A_363 = arith.constant 128 : i32
      %mul3A_364 = arith.muli %select_n3A_362, %mul3A_363 : i32
      %multiple_of3A_365 = tpu.assume_multiple %mul3A_364, 128 : i32
      %dma_start3A_366 = arith.constant 8 : i32
      %dma_start3A_367 = arith.constant 0 : i32
      %dma_start3A_368 = arith.constant 0 : i32
      %dma_start3A_369 = tpu.memref_slice %arg6[%dma_start3A_366, %dma_start3A_367, %dma_start3A_368] : memref<16x32x128xf32, #tpu.memory_space<vmem>> -> memref<1x32x128xf32, #tpu.memory_space<vmem>>
      %dma_start3A_370 = tpu.memref_squeeze %dma_start3A_369 : memref<1x32x128xf32, #tpu.memory_space<vmem>> -> memref<32x128xf32, #tpu.memory_space<vmem>>
      %dma_start3A_371 = arith.constant 0 : i32
      %dma_start3A_372 = tpu.memref_slice %arg2[%dma_start3A_371, %multiple_of3A_365] : memref<32x1000000xf32, #tpu.memory_space<hbm>> -> memref<32x128xf32, #tpu.memory_space<hbm>>
      %dma_start3A_373 = arith.constant 0 : i32
      %dma_start3A_374 = arith.constant 0 : i32
      %dma_start3A_375 = tpu.memref_slice %arg6[%dma_start3A_366, %dma_start3A_373, %dma_start3A_374] : memref<16x32x128xf32, #tpu.memory_space<vmem>> -> memref<1x32x128xf32, #tpu.memory_space<vmem>>
      %dma_start3A_376 = tpu.memref_squeeze %dma_start3A_375 : memref<1x32x128xf32, #tpu.memory_space<vmem>> -> memref<32x128xf32, #tpu.memory_space<vmem>>
      %dma_start3A_377 = arith.constant 0 : i32
      %dma_start3A_378 = tpu.memref_slice %arg2[%dma_start3A_377, %multiple_of3A_365] : memref<32x1000000xf32, #tpu.memory_space<hbm>> -> memref<32x128xf32, #tpu.memory_space<hbm>>
      tpu.enqueue_dma source(%dma_start3A_378 : memref<32x128xf32, #tpu.memory_space<hbm>>) target(%dma_start3A_376 : memref<32x128xf32, #tpu.memory_space<vmem>>) target_semaphore(%arg8 : memref<!tpu.dma_semaphore, #tpu.memory_space<semaphore_mem>>)
      %slice3A_379 = vector.extract_strided_slice %get3A_11 {offsets = [9], sizes = [1], strides = [1]} : vector<16xi32> to vector<1xi32>
      %squeeze3A_380 = vector.extract %slice3A_379[0] : i32 from vector<1xi32>
      %jit3A_381 = arith.constant 128 : i32
      %div3A_382 = arith.divsi %squeeze3A_380, %jit3A_381 : i32
      %sign3A_383 = arith.constant 0 : i32
      %sign3A_384 = arith.cmpi sgt, %squeeze3A_380, %sign3A_383 : i32
      %sign3A_385 = arith.extui %sign3A_384 : i1 to i32
      %sign3A_386 = arith.constant 0 : i32
      %sign3A_387 = arith.cmpi slt, %squeeze3A_380, %sign3A_386 : i32
      %sign3A_388 = arith.extui %sign3A_387 : i1 to i32
      %sign3A_389 = arith.subi %sign3A_385, %sign3A_388 : i32
      %sign3A_390 = arith.constant 0 : i32
      %sign3A_391 = arith.cmpi sgt, %jit3A_381, %sign3A_390 : i32
      %sign3A_392 = arith.extui %sign3A_391 : i1 to i32
      %sign3A_393 = arith.constant 0 : i32
      %sign3A_394 = arith.cmpi slt, %jit3A_381, %sign3A_393 : i32
      %sign3A_395 = arith.extui %sign3A_394 : i1 to i32
      %sign3A_396 = arith.subi %sign3A_392, %sign3A_395 : i32
      %ne3A_397 = arith.cmpi ne, %sign3A_389, %sign3A_396 : i32
      %rem3A_398 = arith.remsi %squeeze3A_380, %jit3A_381 : i32
      %ne3A_399 = arith.constant 0 : i32
      %ne3A_400 = arith.cmpi ne, %rem3A_398, %ne3A_399 : i32
      %and3A_401 = arith.andi %ne3A_397, %ne3A_400 : i1
      %sub3A_402 = arith.constant 1 : i32
      %sub3A_403 = arith.subi %div3A_382, %sub3A_402 : i32
      %select_n3A_404 = arith.select %and3A_401, %sub3A_403, %div3A_382 : i32
      %mul3A_405 = arith.constant 128 : i32
      %mul3A_406 = arith.muli %select_n3A_404, %mul3A_405 : i32
      %multiple_of3A_407 = tpu.assume_multiple %mul3A_406, 128 : i32
      %dma_start3A_408 = arith.constant 9 : i32
      %dma_start3A_409 = arith.constant 0 : i32
      %dma_start3A_410 = arith.constant 0 : i32
      %dma_start3A_411 = tpu.memref_slice %arg6[%dma_start3A_408, %dma_start3A_409, %dma_start3A_410] : memref<16x32x128xf32, #tpu.memory_space<vmem>> -> memref<1x32x128xf32, #tpu.memory_space<vmem>>
      %dma_start3A_412 = tpu.memref_squeeze %dma_start3A_411 : memref<1x32x128xf32, #tpu.memory_space<vmem>> -> memref<32x128xf32, #tpu.memory_space<vmem>>
      %dma_start3A_413 = arith.constant 0 : i32
      %dma_start3A_414 = tpu.memref_slice %arg2[%dma_start3A_413, %multiple_of3A_407] : memref<32x1000000xf32, #tpu.memory_space<hbm>> -> memref<32x128xf32, #tpu.memory_space<hbm>>
      %dma_start3A_415 = arith.constant 0 : i32
      %dma_start3A_416 = arith.constant 0 : i32
      %dma_start3A_417 = tpu.memref_slice %arg6[%dma_start3A_408, %dma_start3A_415, %dma_start3A_416] : memref<16x32x128xf32, #tpu.memory_space<vmem>> -> memref<1x32x128xf32, #tpu.memory_space<vmem>>
      %dma_start3A_418 = tpu.memref_squeeze %dma_start3A_417 : memref<1x32x128xf32, #tpu.memory_space<vmem>> -> memref<32x128xf32, #tpu.memory_space<vmem>>
      %dma_start3A_419 = arith.constant 0 : i32
      %dma_start3A_420 = tpu.memref_slice %arg2[%dma_start3A_419, %multiple_of3A_407] : memref<32x1000000xf32, #tpu.memory_space<hbm>> -> memref<32x128xf32, #tpu.memory_space<hbm>>
      tpu.enqueue_dma source(%dma_start3A_420 : memref<32x128xf32, #tpu.memory_space<hbm>>) target(%dma_start3A_418 : memref<32x128xf32, #tpu.memory_space<vmem>>) target_semaphore(%arg8 : memref<!tpu.dma_semaphore, #tpu.memory_space<semaphore_mem>>)
      %slice3A_421 = vector.extract_strided_slice %get3A_11 {offsets = [10], sizes = [1], strides = [1]} : vector<16xi32> to vector<1xi32>
      %squeeze3A_422 = vector.extract %slice3A_421[0] : i32 from vector<1xi32>
      %jit3A_423 = arith.constant 128 : i32
      %div3A_424 = arith.divsi %squeeze3A_422, %jit3A_423 : i32
      %sign3A_425 = arith.constant 0 : i32
      %sign3A_426 = arith.cmpi sgt, %squeeze3A_422, %sign3A_425 : i32
      %sign3A_427 = arith.extui %sign3A_426 : i1 to i32
      %sign3A_428 = arith.constant 0 : i32
      %sign3A_429 = arith.cmpi slt, %squeeze3A_422, %sign3A_428 : i32
      %sign3A_430 = arith.extui %sign3A_429 : i1 to i32
      %sign3A_431 = arith.subi %sign3A_427, %sign3A_430 : i32
      %sign3A_432 = arith.constant 0 : i32
      %sign3A_433 = arith.cmpi sgt, %jit3A_423, %sign3A_432 : i32
      %sign3A_434 = arith.extui %sign3A_433 : i1 to i32
      %sign3A_435 = arith.constant 0 : i32
      %sign3A_436 = arith.cmpi slt, %jit3A_423, %sign3A_435 : i32
      %sign3A_437 = arith.extui %sign3A_436 : i1 to i32
      %sign3A_438 = arith.subi %sign3A_434, %sign3A_437 : i32
      %ne3A_439 = arith.cmpi ne, %sign3A_431, %sign3A_438 : i32
      %rem3A_440 = arith.remsi %squeeze3A_422, %jit3A_423 : i32
      %ne3A_441 = arith.constant 0 : i32
      %ne3A_442 = arith.cmpi ne, %rem3A_440, %ne3A_441 : i32
      %and3A_443 = arith.andi %ne3A_439, %ne3A_442 : i1
      %sub3A_444 = arith.constant 1 : i32
      %sub3A_445 = arith.subi %div3A_424, %sub3A_444 : i32
      %select_n3A_446 = arith.select %and3A_443, %sub3A_445, %div3A_424 : i32
      %mul3A_447 = arith.constant 128 : i32
      %mul3A_448 = arith.muli %select_n3A_446, %mul3A_447 : i32
      %multiple_of3A_449 = tpu.assume_multiple %mul3A_448, 128 : i32
      %dma_start3A_450 = arith.constant 10 : i32
      %dma_start3A_451 = arith.constant 0 : i32
      %dma_start3A_452 = arith.constant 0 : i32
      %dma_start3A_453 = tpu.memref_slice %arg6[%dma_start3A_450, %dma_start3A_451, %dma_start3A_452] : memref<16x32x128xf32, #tpu.memory_space<vmem>> -> memref<1x32x128xf32, #tpu.memory_space<vmem>>
      %dma_start3A_454 = tpu.memref_squeeze %dma_start3A_453 : memref<1x32x128xf32, #tpu.memory_space<vmem>> -> memref<32x128xf32, #tpu.memory_space<vmem>>
      %dma_start3A_455 = arith.constant 0 : i32
      %dma_start3A_456 = tpu.memref_slice %arg2[%dma_start3A_455, %multiple_of3A_449] : memref<32x1000000xf32, #tpu.memory_space<hbm>> -> memref<32x128xf32, #tpu.memory_space<hbm>>
      %dma_start3A_457 = arith.constant 0 : i32
      %dma_start3A_458 = arith.constant 0 : i32
      %dma_start3A_459 = tpu.memref_slice %arg6[%dma_start3A_450, %dma_start3A_457, %dma_start3A_458] : memref<16x32x128xf32, #tpu.memory_space<vmem>> -> memref<1x32x128xf32, #tpu.memory_space<vmem>>
      %dma_start3A_460 = tpu.memref_squeeze %dma_start3A_459 : memref<1x32x128xf32, #tpu.memory_space<vmem>> -> memref<32x128xf32, #tpu.memory_space<vmem>>
      %dma_start3A_461 = arith.constant 0 : i32
      %dma_start3A_462 = tpu.memref_slice %arg2[%dma_start3A_461, %multiple_of3A_449] : memref<32x1000000xf32, #tpu.memory_space<hbm>> -> memref<32x128xf32, #tpu.memory_space<hbm>>
      tpu.enqueue_dma source(%dma_start3A_462 : memref<32x128xf32, #tpu.memory_space<hbm>>) target(%dma_start3A_460 : memref<32x128xf32, #tpu.memory_space<vmem>>) target_semaphore(%arg8 : memref<!tpu.dma_semaphore, #tpu.memory_space<semaphore_mem>>)
      %slice3A_463 = vector.extract_strided_slice %get3A_11 {offsets = [11], sizes = [1], strides = [1]} : vector<16xi32> to vector<1xi32>
      %squeeze3A_464 = vector.extract %slice3A_463[0] : i32 from vector<1xi32>
      %jit3A_465 = arith.constant 128 : i32
      %div3A_466 = arith.divsi %squeeze3A_464, %jit3A_465 : i32
      %sign3A_467 = arith.constant 0 : i32
      %sign3A_468 = arith.cmpi sgt, %squeeze3A_464, %sign3A_467 : i32
      %sign3A_469 = arith.extui %sign3A_468 : i1 to i32
      %sign3A_470 = arith.constant 0 : i32
      %sign3A_471 = arith.cmpi slt, %squeeze3A_464, %sign3A_470 : i32
      %sign3A_472 = arith.extui %sign3A_471 : i1 to i32
      %sign3A_473 = arith.subi %sign3A_469, %sign3A_472 : i32
      %sign3A_474 = arith.constant 0 : i32
      %sign3A_475 = arith.cmpi sgt, %jit3A_465, %sign3A_474 : i32
      %sign3A_476 = arith.extui %sign3A_475 : i1 to i32
      %sign3A_477 = arith.constant 0 : i32
      %sign3A_478 = arith.cmpi slt, %jit3A_465, %sign3A_477 : i32
      %sign3A_479 = arith.extui %sign3A_478 : i1 to i32
      %sign3A_480 = arith.subi %sign3A_476, %sign3A_479 : i32
      %ne3A_481 = arith.cmpi ne, %sign3A_473, %sign3A_480 : i32
      %rem3A_482 = arith.remsi %squeeze3A_464, %jit3A_465 : i32
      %ne3A_483 = arith.constant 0 : i32
      %ne3A_484 = arith.cmpi ne, %rem3A_482, %ne3A_483 : i32
      %and3A_485 = arith.andi %ne3A_481, %ne3A_484 : i1
      %sub3A_486 = arith.constant 1 : i32
      %sub3A_487 = arith.subi %div3A_466, %sub3A_486 : i32
      %select_n3A_488 = arith.select %and3A_485, %sub3A_487, %div3A_466 : i32
      %mul3A_489 = arith.constant 128 : i32
      %mul3A_490 = arith.muli %select_n3A_488, %mul3A_489 : i32
      %multiple_of3A_491 = tpu.assume_multiple %mul3A_490, 128 : i32
      %dma_start3A_492 = arith.constant 11 : i32
      %dma_start3A_493 = arith.constant 0 : i32
      %dma_start3A_494 = arith.constant 0 : i32
      %dma_start3A_495 = tpu.memref_slice %arg6[%dma_start3A_492, %dma_start3A_493, %dma_start3A_494] : memref<16x32x128xf32, #tpu.memory_space<vmem>> -> memref<1x32x128xf32, #tpu.memory_space<vmem>>
      %dma_start3A_496 = tpu.memref_squeeze %dma_start3A_495 : memref<1x32x128xf32, #tpu.memory_space<vmem>> -> memref<32x128xf32, #tpu.memory_space<vmem>>
      %dma_start3A_497 = arith.constant 0 : i32
      %dma_start3A_498 = tpu.memref_slice %arg2[%dma_start3A_497, %multiple_of3A_491] : memref<32x1000000xf32, #tpu.memory_space<hbm>> -> memref<32x128xf32, #tpu.memory_space<hbm>>
      %dma_start3A_499 = arith.constant 0 : i32
      %dma_start3A_500 = arith.constant 0 : i32
      %dma_start3A_501 = tpu.memref_slice %arg6[%dma_start3A_492, %dma_start3A_499, %dma_start3A_500] : memref<16x32x128xf32, #tpu.memory_space<vmem>> -> memref<1x32x128xf32, #tpu.memory_space<vmem>>
      %dma_start3A_502 = tpu.memref_squeeze %dma_start3A_501 : memref<1x32x128xf32, #tpu.memory_space<vmem>> -> memref<32x128xf32, #tpu.memory_space<vmem>>
      %dma_start3A_503 = arith.constant 0 : i32
      %dma_start3A_504 = tpu.memref_slice %arg2[%dma_start3A_503, %multiple_of3A_491] : memref<32x1000000xf32, #tpu.memory_space<hbm>> -> memref<32x128xf32, #tpu.memory_space<hbm>>
      tpu.enqueue_dma source(%dma_start3A_504 : memref<32x128xf32, #tpu.memory_space<hbm>>) target(%dma_start3A_502 : memref<32x128xf32, #tpu.memory_space<vmem>>) target_semaphore(%arg8 : memref<!tpu.dma_semaphore, #tpu.memory_space<semaphore_mem>>)
      %slice3A_505 = vector.extract_strided_slice %get3A_11 {offsets = [12], sizes = [1], strides = [1]} : vector<16xi32> to vector<1xi32>
      %squeeze3A_506 = vector.extract %slice3A_505[0] : i32 from vector<1xi32>
      %jit3A_507 = arith.constant 128 : i32
      %div3A_508 = arith.divsi %squeeze3A_506, %jit3A_507 : i32
      %sign3A_509 = arith.constant 0 : i32
      %sign3A_510 = arith.cmpi sgt, %squeeze3A_506, %sign3A_509 : i32
      %sign3A_511 = arith.extui %sign3A_510 : i1 to i32
      %sign3A_512 = arith.constant 0 : i32
      %sign3A_513 = arith.cmpi slt, %squeeze3A_506, %sign3A_512 : i32
      %sign3A_514 = arith.extui %sign3A_513 : i1 to i32
      %sign3A_515 = arith.subi %sign3A_511, %sign3A_514 : i32
      %sign3A_516 = arith.constant 0 : i32
      %sign3A_517 = arith.cmpi sgt, %jit3A_507, %sign3A_516 : i32
      %sign3A_518 = arith.extui %sign3A_517 : i1 to i32
      %sign3A_519 = arith.constant 0 : i32
      %sign3A_520 = arith.cmpi slt, %jit3A_507, %sign3A_519 : i32
      %sign3A_521 = arith.extui %sign3A_520 : i1 to i32
      %sign3A_522 = arith.subi %sign3A_518, %sign3A_521 : i32
      %ne3A_523 = arith.cmpi ne, %sign3A_515, %sign3A_522 : i32
      %rem3A_524 = arith.remsi %squeeze3A_506, %jit3A_507 : i32
      %ne3A_525 = arith.constant 0 : i32
      %ne3A_526 = arith.cmpi ne, %rem3A_524, %ne3A_525 : i32
      %and3A_527 = arith.andi %ne3A_523, %ne3A_526 : i1
      %sub3A_528 = arith.constant 1 : i32
      %sub3A_529 = arith.subi %div3A_508, %sub3A_528 : i32
      %select_n3A_530 = arith.select %and3A_527, %sub3A_529, %div3A_508 : i32
      %mul3A_531 = arith.constant 128 : i32
      %mul3A_532 = arith.muli %select_n3A_530, %mul3A_531 : i32
      %multiple_of3A_533 = tpu.assume_multiple %mul3A_532, 128 : i32
      %dma_start3A_534 = arith.constant 12 : i32
      %dma_start3A_535 = arith.constant 0 : i32
      %dma_start3A_536 = arith.constant 0 : i32
      %dma_start3A_537 = tpu.memref_slice %arg6[%dma_start3A_534, %dma_start3A_535, %dma_start3A_536] : memref<16x32x128xf32, #tpu.memory_space<vmem>> -> memref<1x32x128xf32, #tpu.memory_space<vmem>>
      %dma_start3A_538 = tpu.memref_squeeze %dma_start3A_537 : memref<1x32x128xf32, #tpu.memory_space<vmem>> -> memref<32x128xf32, #tpu.memory_space<vmem>>
      %dma_start3A_539 = arith.constant 0 : i32
      %dma_start3A_540 = tpu.memref_slice %arg2[%dma_start3A_539, %multiple_of3A_533] : memref<32x1000000xf32, #tpu.memory_space<hbm>> -> memref<32x128xf32, #tpu.memory_space<hbm>>
      %dma_start3A_541 = arith.constant 0 : i32
      %dma_start3A_542 = arith.constant 0 : i32
      %dma_start3A_543 = tpu.memref_slice %arg6[%dma_start3A_534, %dma_start3A_541, %dma_start3A_542] : memref<16x32x128xf32, #tpu.memory_space<vmem>> -> memref<1x32x128xf32, #tpu.memory_space<vmem>>
      %dma_start3A_544 = tpu.memref_squeeze %dma_start3A_543 : memref<1x32x128xf32, #tpu.memory_space<vmem>> -> memref<32x128xf32, #tpu.memory_space<vmem>>
      %dma_start3A_545 = arith.constant 0 : i32
      %dma_start3A_546 = tpu.memref_slice %arg2[%dma_start3A_545, %multiple_of3A_533] : memref<32x1000000xf32, #tpu.memory_space<hbm>> -> memref<32x128xf32, #tpu.memory_space<hbm>>
      tpu.enqueue_dma source(%dma_start3A_546 : memref<32x128xf32, #tpu.memory_space<hbm>>) target(%dma_start3A_544 : memref<32x128xf32, #tpu.memory_space<vmem>>) target_semaphore(%arg8 : memref<!tpu.dma_semaphore, #tpu.memory_space<semaphore_mem>>)
      %slice3A_547 = vector.extract_strided_slice %get3A_11 {offsets = [13], sizes = [1], strides = [1]} : vector<16xi32> to vector<1xi32>
      %squeeze3A_548 = vector.extract %slice3A_547[0] : i32 from vector<1xi32>
      %jit3A_549 = arith.constant 128 : i32
      %div3A_550 = arith.divsi %squeeze3A_548, %jit3A_549 : i32
      %sign3A_551 = arith.constant 0 : i32
      %sign3A_552 = arith.cmpi sgt, %squeeze3A_548, %sign3A_551 : i32
      %sign3A_553 = arith.extui %sign3A_552 : i1 to i32
      %sign3A_554 = arith.constant 0 : i32
      %sign3A_555 = arith.cmpi slt, %squeeze3A_548, %sign3A_554 : i32
      %sign3A_556 = arith.extui %sign3A_555 : i1 to i32
      %sign3A_557 = arith.subi %sign3A_553, %sign3A_556 : i32
      %sign3A_558 = arith.constant 0 : i32
      %sign3A_559 = arith.cmpi sgt, %jit3A_549, %sign3A_558 : i32
      %sign3A_560 = arith.extui %sign3A_559 : i1 to i32
      %sign3A_561 = arith.constant 0 : i32
      %sign3A_562 = arith.cmpi slt, %jit3A_549, %sign3A_561 : i32
      %sign3A_563 = arith.extui %sign3A_562 : i1 to i32
      %sign3A_564 = arith.subi %sign3A_560, %sign3A_563 : i32
      %ne3A_565 = arith.cmpi ne, %sign3A_557, %sign3A_564 : i32
      %rem3A_566 = arith.remsi %squeeze3A_548, %jit3A_549 : i32
      %ne3A_567 = arith.constant 0 : i32
      %ne3A_568 = arith.cmpi ne, %rem3A_566, %ne3A_567 : i32
      %and3A_569 = arith.andi %ne3A_565, %ne3A_568 : i1
      %sub3A_570 = arith.constant 1 : i32
      %sub3A_571 = arith.subi %div3A_550, %sub3A_570 : i32
      %select_n3A_572 = arith.select %and3A_569, %sub3A_571, %div3A_550 : i32
      %mul3A_573 = arith.constant 128 : i32
      %mul3A_574 = arith.muli %select_n3A_572, %mul3A_573 : i32
      %multiple_of3A_575 = tpu.assume_multiple %mul3A_574, 128 : i32
      %dma_start3A_576 = arith.constant 13 : i32
      %dma_start3A_577 = arith.constant 0 : i32
      %dma_start3A_578 = arith.constant 0 : i32
      %dma_start3A_579 = tpu.memref_slice %arg6[%dma_start3A_576, %dma_start3A_577, %dma_start3A_578] : memref<16x32x128xf32, #tpu.memory_space<vmem>> -> memref<1x32x128xf32, #tpu.memory_space<vmem>>
      %dma_start3A_580 = tpu.memref_squeeze %dma_start3A_579 : memref<1x32x128xf32, #tpu.memory_space<vmem>> -> memref<32x128xf32, #tpu.memory_space<vmem>>
      %dma_start3A_581 = arith.constant 0 : i32
      %dma_start3A_582 = tpu.memref_slice %arg2[%dma_start3A_581, %multiple_of3A_575] : memref<32x1000000xf32, #tpu.memory_space<hbm>> -> memref<32x128xf32, #tpu.memory_space<hbm>>
      %dma_start3A_583 = arith.constant 0 : i32
      %dma_start3A_584 = arith.constant 0 : i32
      %dma_start3A_585 = tpu.memref_slice %arg6[%dma_start3A_576, %dma_start3A_583, %dma_start3A_584] : memref<16x32x128xf32, #tpu.memory_space<vmem>> -> memref<1x32x128xf32, #tpu.memory_space<vmem>>
      %dma_start3A_586 = tpu.memref_squeeze %dma_start3A_585 : memref<1x32x128xf32, #tpu.memory_space<vmem>> -> memref<32x128xf32, #tpu.memory_space<vmem>>
      %dma_start3A_587 = arith.constant 0 : i32
      %dma_start3A_588 = tpu.memref_slice %arg2[%dma_start3A_587, %multiple_of3A_575] : memref<32x1000000xf32, #tpu.memory_space<hbm>> -> memref<32x128xf32, #tpu.memory_space<hbm>>
      tpu.enqueue_dma source(%dma_start3A_588 : memref<32x128xf32, #tpu.memory_space<hbm>>) target(%dma_start3A_586 : memref<32x128xf32, #tpu.memory_space<vmem>>) target_semaphore(%arg8 : memref<!tpu.dma_semaphore, #tpu.memory_space<semaphore_mem>>)
      %slice3A_589 = vector.extract_strided_slice %get3A_11 {offsets = [14], sizes = [1], strides = [1]} : vector<16xi32> to vector<1xi32>
      %squeeze3A_590 = vector.extract %slice3A_589[0] : i32 from vector<1xi32>
      %jit3A_591 = arith.constant 128 : i32
      %div3A_592 = arith.divsi %squeeze3A_590, %jit3A_591 : i32
      %sign3A_593 = arith.constant 0 : i32
      %sign3A_594 = arith.cmpi sgt, %squeeze3A_590, %sign3A_593 : i32
      %sign3A_595 = arith.extui %sign3A_594 : i1 to i32
      %sign3A_596 = arith.constant 0 : i32
      %sign3A_597 = arith.cmpi slt, %squeeze3A_590, %sign3A_596 : i32
      %sign3A_598 = arith.extui %sign3A_597 : i1 to i32
      %sign3A_599 = arith.subi %sign3A_595, %sign3A_598 : i32
      %sign3A_600 = arith.constant 0 : i32
      %sign3A_601 = arith.cmpi sgt, %jit3A_591, %sign3A_600 : i32
      %sign3A_602 = arith.extui %sign3A_601 : i1 to i32
      %sign3A_603 = arith.constant 0 : i32
      %sign3A_604 = arith.cmpi slt, %jit3A_591, %sign3A_603 : i32
      %sign3A_605 = arith.extui %sign3A_604 : i1 to i32
      %sign3A_606 = arith.subi %sign3A_602, %sign3A_605 : i32
      %ne3A_607 = arith.cmpi ne, %sign3A_599, %sign3A_606 : i32
      %rem3A_608 = arith.remsi %squeeze3A_590, %jit3A_591 : i32
      %ne3A_609 = arith.constant 0 : i32
      %ne3A_610 = arith.cmpi ne, %rem3A_608, %ne3A_609 : i32
      %and3A_611 = arith.andi %ne3A_607, %ne3A_610 : i1
      %sub3A_612 = arith.constant 1 : i32
      %sub3A_613 = arith.subi %div3A_592, %sub3A_612 : i32
      %select_n3A_614 = arith.select %and3A_611, %sub3A_613, %div3A_592 : i32
      %mul3A_615 = arith.constant 128 : i32
      %mul3A_616 = arith.muli %select_n3A_614, %mul3A_615 : i32
      %multiple_of3A_617 = tpu.assume_multiple %mul3A_616, 128 : i32
      %dma_start3A_618 = arith.constant 14 : i32
      %dma_start3A_619 = arith.constant 0 : i32
      %dma_start3A_620 = arith.constant 0 : i32
      %dma_start3A_621 = tpu.memref_slice %arg6[%dma_start3A_618, %dma_start3A_619, %dma_start3A_620] : memref<16x32x128xf32, #tpu.memory_space<vmem>> -> memref<1x32x128xf32, #tpu.memory_space<vmem>>
      %dma_start3A_622 = tpu.memref_squeeze %dma_start3A_621 : memref<1x32x128xf32, #tpu.memory_space<vmem>> -> memref<32x128xf32, #tpu.memory_space<vmem>>
      %dma_start3A_623 = arith.constant 0 : i32
      %dma_start3A_624 = tpu.memref_slice %arg2[%dma_start3A_623, %multiple_of3A_617] : memref<32x1000000xf32, #tpu.memory_space<hbm>> -> memref<32x128xf32, #tpu.memory_space<hbm>>
      %dma_start3A_625 = arith.constant 0 : i32
      %dma_start3A_626 = arith.constant 0 : i32
      %dma_start3A_627 = tpu.memref_slice %arg6[%dma_start3A_618, %dma_start3A_625, %dma_start3A_626] : memref<16x32x128xf32, #tpu.memory_space<vmem>> -> memref<1x32x128xf32, #tpu.memory_space<vmem>>
      %dma_start3A_628 = tpu.memref_squeeze %dma_start3A_627 : memref<1x32x128xf32, #tpu.memory_space<vmem>> -> memref<32x128xf32, #tpu.memory_space<vmem>>
      %dma_start3A_629 = arith.constant 0 : i32
      %dma_start3A_630 = tpu.memref_slice %arg2[%dma_start3A_629, %multiple_of3A_617] : memref<32x1000000xf32, #tpu.memory_space<hbm>> -> memref<32x128xf32, #tpu.memory_space<hbm>>
      tpu.enqueue_dma source(%dma_start3A_630 : memref<32x128xf32, #tpu.memory_space<hbm>>) target(%dma_start3A_628 : memref<32x128xf32, #tpu.memory_space<vmem>>) target_semaphore(%arg8 : memref<!tpu.dma_semaphore, #tpu.memory_space<semaphore_mem>>)
      %slice3A_631 = vector.extract_strided_slice %get3A_11 {offsets = [15], sizes = [1], strides = [1]} : vector<16xi32> to vector<1xi32>
      %squeeze3A_632 = vector.extract %slice3A_631[0] : i32 from vector<1xi32>
      %jit3A_633 = arith.constant 128 : i32
      %div3A_634 = arith.divsi %squeeze3A_632, %jit3A_633 : i32
      %sign3A_635 = arith.constant 0 : i32
      %sign3A_636 = arith.cmpi sgt, %squeeze3A_632, %sign3A_635 : i32
      %sign3A_637 = arith.extui %sign3A_636 : i1 to i32
      %sign3A_638 = arith.constant 0 : i32
      %sign3A_639 = arith.cmpi slt, %squeeze3A_632, %sign3A_638 : i32
      %sign3A_640 = arith.extui %sign3A_639 : i1 to i32
      %sign3A_641 = arith.subi %sign3A_637, %sign3A_640 : i32
      %sign3A_642 = arith.constant 0 : i32
      %sign3A_643 = arith.cmpi sgt, %jit3A_633, %sign3A_642 : i32
      %sign3A_644 = arith.extui %sign3A_643 : i1 to i32
      %sign3A_645 = arith.constant 0 : i32
      %sign3A_646 = arith.cmpi slt, %jit3A_633, %sign3A_645 : i32
      %sign3A_647 = arith.extui %sign3A_646 : i1 to i32
      %sign3A_648 = arith.subi %sign3A_644, %sign3A_647 : i32
      %ne3A_649 = arith.cmpi ne, %sign3A_641, %sign3A_648 : i32
      %rem3A_650 = arith.remsi %squeeze3A_632, %jit3A_633 : i32
      %ne3A_651 = arith.constant 0 : i32
      %ne3A_652 = arith.cmpi ne, %rem3A_650, %ne3A_651 : i32
      %and3A_653 = arith.andi %ne3A_649, %ne3A_652 : i1
      %sub3A_654 = arith.constant 1 : i32
      %sub3A_655 = arith.subi %div3A_634, %sub3A_654 : i32
      %select_n3A_656 = arith.select %and3A_653, %sub3A_655, %div3A_634 : i32
      %mul3A_657 = arith.constant 128 : i32
      %mul3A_658 = arith.muli %select_n3A_656, %mul3A_657 : i32
      %multiple_of3A_659 = tpu.assume_multiple %mul3A_658, 128 : i32
      %dma_start3A_660 = arith.constant 15 : i32
      %dma_start3A_661 = arith.constant 0 : i32
      %dma_start3A_662 = arith.constant 0 : i32
      %dma_start3A_663 = tpu.memref_slice %arg6[%dma_start3A_660, %dma_start3A_661, %dma_start3A_662] : memref<16x32x128xf32, #tpu.memory_space<vmem>> -> memref<1x32x128xf32, #tpu.memory_space<vmem>>
      %dma_start3A_664 = tpu.memref_squeeze %dma_start3A_663 : memref<1x32x128xf32, #tpu.memory_space<vmem>> -> memref<32x128xf32, #tpu.memory_space<vmem>>
      %dma_start3A_665 = arith.constant 0 : i32
      %dma_start3A_666 = tpu.memref_slice %arg2[%dma_start3A_665, %multiple_of3A_659] : memref<32x1000000xf32, #tpu.memory_space<hbm>> -> memref<32x128xf32, #tpu.memory_space<hbm>>
      %dma_start3A_667 = arith.constant 0 : i32
      %dma_start3A_668 = arith.constant 0 : i32
      %dma_start3A_669 = tpu.memref_slice %arg6[%dma_start3A_660, %dma_start3A_667, %dma_start3A_668] : memref<16x32x128xf32, #tpu.memory_space<vmem>> -> memref<1x32x128xf32, #tpu.memory_space<vmem>>
      %dma_start3A_670 = tpu.memref_squeeze %dma_start3A_669 : memref<1x32x128xf32, #tpu.memory_space<vmem>> -> memref<32x128xf32, #tpu.memory_space<vmem>>
      %dma_start3A_671 = arith.constant 0 : i32
      %dma_start3A_672 = tpu.memref_slice %arg2[%dma_start3A_671, %multiple_of3A_659] : memref<32x1000000xf32, #tpu.memory_space<hbm>> -> memref<32x128xf32, #tpu.memory_space<hbm>>
      tpu.enqueue_dma source(%dma_start3A_672 : memref<32x128xf32, #tpu.memory_space<hbm>>) target(%dma_start3A_670 : memref<32x128xf32, #tpu.memory_space<vmem>>) target_semaphore(%arg8 : memref<!tpu.dma_semaphore, #tpu.memory_space<semaphore_mem>>)
      %dma_wait3A = arith.constant 0 : i32
      %dma_wait3A_673 = arith.constant 0 : i32
      %dma_wait3A_674 = arith.constant 0 : i32
      %dma_wait3A_675 = tpu.memref_slice %arg6[%dma_wait3A, %dma_wait3A_673, %dma_wait3A_674] : memref<16x32x128xf32, #tpu.memory_space<vmem>> -> memref<1x32x128xf32, #tpu.memory_space<vmem>>
      %dma_wait3A_676 = tpu.memref_squeeze %dma_wait3A_675 : memref<1x32x128xf32, #tpu.memory_space<vmem>> -> memref<32x128xf32, #tpu.memory_space<vmem>>
      %dma_wait3A_677 = arith.constant 0 : i32
      %dma_wait3A_678 = tpu.memref_slice %arg2[%dma_wait3A_677, %multiple_of3A_30] : memref<32x1000000xf32, #tpu.memory_space<hbm>> -> memref<32x128xf32, #tpu.memory_space<hbm>>
      %dma_wait3A_679 = arith.constant 0 : i32
      %dma_wait3A_680 = arith.constant 0 : i32
      %dma_wait3A_681 = tpu.memref_slice %arg6[%dma_wait3A, %dma_wait3A_679, %dma_wait3A_680] : memref<16x32x128xf32, #tpu.memory_space<vmem>> -> memref<1x32x128xf32, #tpu.memory_space<vmem>>
      %dma_wait3A_682 = tpu.memref_squeeze %dma_wait3A_681 : memref<1x32x128xf32, #tpu.memory_space<vmem>> -> memref<32x128xf32, #tpu.memory_space<vmem>>
      %dma_wait3A_683 = arith.constant 0 : i32
      %dma_wait3A_684 = tpu.memref_slice %arg2[%dma_wait3A_683, %multiple_of3A_30] : memref<32x1000000xf32, #tpu.memory_space<hbm>> -> memref<32x128xf32, #tpu.memory_space<hbm>>
      tpu.wait_dma2 semaphore(%arg8 : memref<!tpu.dma_semaphore, #tpu.memory_space<semaphore_mem>>) src(%dma_wait3A_684 : memref<32x128xf32, #tpu.memory_space<hbm>>) dst(%dma_wait3A_682 : memref<32x128xf32, #tpu.memory_space<vmem>>)
      %dma_wait3A_685 = arith.constant 1 : i32
      %dma_wait3A_686 = arith.constant 0 : i32
      %dma_wait3A_687 = arith.constant 0 : i32
      %dma_wait3A_688 = tpu.memref_slice %arg6[%dma_wait3A_685, %dma_wait3A_686, %dma_wait3A_687] : memref<16x32x128xf32, #tpu.memory_space<vmem>> -> memref<1x32x128xf32, #tpu.memory_space<vmem>>
      %dma_wait3A_689 = tpu.memref_squeeze %dma_wait3A_688 : memref<1x32x128xf32, #tpu.memory_space<vmem>> -> memref<32x128xf32, #tpu.memory_space<vmem>>
      %dma_wait3A_690 = arith.constant 0 : i32
      %dma_wait3A_691 = tpu.memref_slice %arg2[%dma_wait3A_690, %multiple_of3A_71] : memref<32x1000000xf32, #tpu.memory_space<hbm>> -> memref<32x128xf32, #tpu.memory_space<hbm>>
      %dma_wait3A_692 = arith.constant 0 : i32
      %dma_wait3A_693 = arith.constant 0 : i32
      %dma_wait3A_694 = tpu.memref_slice %arg6[%dma_wait3A_685, %dma_wait3A_692, %dma_wait3A_693] : memref<16x32x128xf32, #tpu.memory_space<vmem>> -> memref<1x32x128xf32, #tpu.memory_space<vmem>>
      %dma_wait3A_695 = tpu.memref_squeeze %dma_wait3A_694 : memref<1x32x128xf32, #tpu.memory_space<vmem>> -> memref<32x128xf32, #tpu.memory_space<vmem>>
      %dma_wait3A_696 = arith.constant 0 : i32
      %dma_wait3A_697 = tpu.memref_slice %arg2[%dma_wait3A_696, %multiple_of3A_71] : memref<32x1000000xf32, #tpu.memory_space<hbm>> -> memref<32x128xf32, #tpu.memory_space<hbm>>
      tpu.wait_dma2 semaphore(%arg8 : memref<!tpu.dma_semaphore, #tpu.memory_space<semaphore_mem>>) src(%dma_wait3A_697 : memref<32x128xf32, #tpu.memory_space<hbm>>) dst(%dma_wait3A_695 : memref<32x128xf32, #tpu.memory_space<vmem>>)
      %dma_wait3A_698 = arith.constant 2 : i32
      %dma_wait3A_699 = arith.constant 0 : i32
      %dma_wait3A_700 = arith.constant 0 : i32
      %dma_wait3A_701 = tpu.memref_slice %arg6[%dma_wait3A_698, %dma_wait3A_699, %dma_wait3A_700] : memref<16x32x128xf32, #tpu.memory_space<vmem>> -> memref<1x32x128xf32, #tpu.memory_space<vmem>>
      %dma_wait3A_702 = tpu.memref_squeeze %dma_wait3A_701 : memref<1x32x128xf32, #tpu.memory_space<vmem>> -> memref<32x128xf32, #tpu.memory_space<vmem>>
      %dma_wait3A_703 = arith.constant 0 : i32
      %dma_wait3A_704 = tpu.memref_slice %arg2[%dma_wait3A_703, %multiple_of3A_113] : memref<32x1000000xf32, #tpu.memory_space<hbm>> -> memref<32x128xf32, #tpu.memory_space<hbm>>
      %dma_wait3A_705 = arith.constant 0 : i32
      %dma_wait3A_706 = arith.constant 0 : i32
      %dma_wait3A_707 = tpu.memref_slice %arg6[%dma_wait3A_698, %dma_wait3A_705, %dma_wait3A_706] : memref<16x32x128xf32, #tpu.memory_space<vmem>> -> memref<1x32x128xf32, #tpu.memory_space<vmem>>
      %dma_wait3A_708 = tpu.memref_squeeze %dma_wait3A_707 : memref<1x32x128xf32, #tpu.memory_space<vmem>> -> memref<32x128xf32, #tpu.memory_space<vmem>>
      %dma_wait3A_709 = arith.constant 0 : i32
      %dma_wait3A_710 = tpu.memref_slice %arg2[%dma_wait3A_709, %multiple_of3A_113] : memref<32x1000000xf32, #tpu.memory_space<hbm>> -> memref<32x128xf32, #tpu.memory_space<hbm>>
      tpu.wait_dma2 semaphore(%arg8 : memref<!tpu.dma_semaphore, #tpu.memory_space<semaphore_mem>>) src(%dma_wait3A_710 : memref<32x128xf32, #tpu.memory_space<hbm>>) dst(%dma_wait3A_708 : memref<32x128xf32, #tpu.memory_space<vmem>>)
      %dma_wait3A_711 = arith.constant 3 : i32
      %dma_wait3A_712 = arith.constant 0 : i32
      %dma_wait3A_713 = arith.constant 0 : i32
      %dma_wait3A_714 = tpu.memref_slice %arg6[%dma_wait3A_711, %dma_wait3A_712, %dma_wait3A_713] : memref<16x32x128xf32, #tpu.memory_space<vmem>> -> memref<1x32x128xf32, #tpu.memory_space<vmem>>
      %dma_wait3A_715 = tpu.memref_squeeze %dma_wait3A_714 : memref<1x32x128xf32, #tpu.memory_space<vmem>> -> memref<32x128xf32, #tpu.memory_space<vmem>>
      %dma_wait3A_716 = arith.constant 0 : i32
      %dma_wait3A_717 = tpu.memref_slice %arg2[%dma_wait3A_716, %multiple_of3A_155] : memref<32x1000000xf32, #tpu.memory_space<hbm>> -> memref<32x128xf32, #tpu.memory_space<hbm>>
      %dma_wait3A_718 = arith.constant 0 : i32
      %dma_wait3A_719 = arith.constant 0 : i32
      %dma_wait3A_720 = tpu.memref_slice %arg6[%dma_wait3A_711, %dma_wait3A_718, %dma_wait3A_719] : memref<16x32x128xf32, #tpu.memory_space<vmem>> -> memref<1x32x128xf32, #tpu.memory_space<vmem>>
      %dma_wait3A_721 = tpu.memref_squeeze %dma_wait3A_720 : memref<1x32x128xf32, #tpu.memory_space<vmem>> -> memref<32x128xf32, #tpu.memory_space<vmem>>
      %dma_wait3A_722 = arith.constant 0 : i32
      %dma_wait3A_723 = tpu.memref_slice %arg2[%dma_wait3A_722, %multiple_of3A_155] : memref<32x1000000xf32, #tpu.memory_space<hbm>> -> memref<32x128xf32, #tpu.memory_space<hbm>>
      tpu.wait_dma2 semaphore(%arg8 : memref<!tpu.dma_semaphore, #tpu.memory_space<semaphore_mem>>) src(%dma_wait3A_723 : memref<32x128xf32, #tpu.memory_space<hbm>>) dst(%dma_wait3A_721 : memref<32x128xf32, #tpu.memory_space<vmem>>)
      %dma_wait3A_724 = arith.constant 4 : i32
      %dma_wait3A_725 = arith.constant 0 : i32
      %dma_wait3A_726 = arith.constant 0 : i32
      %dma_wait3A_727 = tpu.memref_slice %arg6[%dma_wait3A_724, %dma_wait3A_725, %dma_wait3A_726] : memref<16x32x128xf32, #tpu.memory_space<vmem>> -> memref<1x32x128xf32, #tpu.memory_space<vmem>>
      %dma_wait3A_728 = tpu.memref_squeeze %dma_wait3A_727 : memref<1x32x128xf32, #tpu.memory_space<vmem>> -> memref<32x128xf32, #tpu.memory_space<vmem>>
      %dma_wait3A_729 = arith.constant 0 : i32
      %dma_wait3A_730 = tpu.memref_slice %arg2[%dma_wait3A_729, %multiple_of3A_197] : memref<32x1000000xf32, #tpu.memory_space<hbm>> -> memref<32x128xf32, #tpu.memory_space<hbm>>
      %dma_wait3A_731 = arith.constant 0 : i32
      %dma_wait3A_732 = arith.constant 0 : i32
      %dma_wait3A_733 = tpu.memref_slice %arg6[%dma_wait3A_724, %dma_wait3A_731, %dma_wait3A_732] : memref<16x32x128xf32, #tpu.memory_space<vmem>> -> memref<1x32x128xf32, #tpu.memory_space<vmem>>
      %dma_wait3A_734 = tpu.memref_squeeze %dma_wait3A_733 : memref<1x32x128xf32, #tpu.memory_space<vmem>> -> memref<32x128xf32, #tpu.memory_space<vmem>>
      %dma_wait3A_735 = arith.constant 0 : i32
      %dma_wait3A_736 = tpu.memref_slice %arg2[%dma_wait3A_735, %multiple_of3A_197] : memref<32x1000000xf32, #tpu.memory_space<hbm>> -> memref<32x128xf32, #tpu.memory_space<hbm>>
      tpu.wait_dma2 semaphore(%arg8 : memref<!tpu.dma_semaphore, #tpu.memory_space<semaphore_mem>>) src(%dma_wait3A_736 : memref<32x128xf32, #tpu.memory_space<hbm>>) dst(%dma_wait3A_734 : memref<32x128xf32, #tpu.memory_space<vmem>>)
      %dma_wait3A_737 = arith.constant 5 : i32
      %dma_wait3A_738 = arith.constant 0 : i32
      %dma_wait3A_739 = arith.constant 0 : i32
      %dma_wait3A_740 = tpu.memref_slice %arg6[%dma_wait3A_737, %dma_wait3A_738, %dma_wait3A_739] : memref<16x32x128xf32, #tpu.memory_space<vmem>> -> memref<1x32x128xf32, #tpu.memory_space<vmem>>
      %dma_wait3A_741 = tpu.memref_squeeze %dma_wait3A_740 : memref<1x32x128xf32, #tpu.memory_space<vmem>> -> memref<32x128xf32, #tpu.memory_space<vmem>>
      %dma_wait3A_742 = arith.constant 0 : i32
      %dma_wait3A_743 = tpu.memref_slice %arg2[%dma_wait3A_742, %multiple_of3A_239] : memref<32x1000000xf32, #tpu.memory_space<hbm>> -> memref<32x128xf32, #tpu.memory_space<hbm>>
      %dma_wait3A_744 = arith.constant 0 : i32
      %dma_wait3A_745 = arith.constant 0 : i32
      %dma_wait3A_746 = tpu.memref_slice %arg6[%dma_wait3A_737, %dma_wait3A_744, %dma_wait3A_745] : memref<16x32x128xf32, #tpu.memory_space<vmem>> -> memref<1x32x128xf32, #tpu.memory_space<vmem>>
      %dma_wait3A_747 = tpu.memref_squeeze %dma_wait3A_746 : memref<1x32x128xf32, #tpu.memory_space<vmem>> -> memref<32x128xf32, #tpu.memory_space<vmem>>
      %dma_wait3A_748 = arith.constant 0 : i32
      %dma_wait3A_749 = tpu.memref_slice %arg2[%dma_wait3A_748, %multiple_of3A_239] : memref<32x1000000xf32, #tpu.memory_space<hbm>> -> memref<32x128xf32, #tpu.memory_space<hbm>>
      tpu.wait_dma2 semaphore(%arg8 : memref<!tpu.dma_semaphore, #tpu.memory_space<semaphore_mem>>) src(%dma_wait3A_749 : memref<32x128xf32, #tpu.memory_space<hbm>>) dst(%dma_wait3A_747 : memref<32x128xf32, #tpu.memory_space<vmem>>)
      %dma_wait3A_750 = arith.constant 6 : i32
      %dma_wait3A_751 = arith.constant 0 : i32
      %dma_wait3A_752 = arith.constant 0 : i32
      %dma_wait3A_753 = tpu.memref_slice %arg6[%dma_wait3A_750, %dma_wait3A_751, %dma_wait3A_752] : memref<16x32x128xf32, #tpu.memory_space<vmem>> -> memref<1x32x128xf32, #tpu.memory_space<vmem>>
      %dma_wait3A_754 = tpu.memref_squeeze %dma_wait3A_753 : memref<1x32x128xf32, #tpu.memory_space<vmem>> -> memref<32x128xf32, #tpu.memory_space<vmem>>
      %dma_wait3A_755 = arith.constant 0 : i32
      %dma_wait3A_756 = tpu.memref_slice %arg2[%dma_wait3A_755, %multiple_of3A_281] : memref<32x1000000xf32, #tpu.memory_space<hbm>> -> memref<32x128xf32, #tpu.memory_space<hbm>>
      %dma_wait3A_757 = arith.constant 0 : i32
      %dma_wait3A_758 = arith.constant 0 : i32
      %dma_wait3A_759 = tpu.memref_slice %arg6[%dma_wait3A_750, %dma_wait3A_757, %dma_wait3A_758] : memref<16x32x128xf32, #tpu.memory_space<vmem>> -> memref<1x32x128xf32, #tpu.memory_space<vmem>>
      %dma_wait3A_760 = tpu.memref_squeeze %dma_wait3A_759 : memref<1x32x128xf32, #tpu.memory_space<vmem>> -> memref<32x128xf32, #tpu.memory_space<vmem>>
      %dma_wait3A_761 = arith.constant 0 : i32
      %dma_wait3A_762 = tpu.memref_slice %arg2[%dma_wait3A_761, %multiple_of3A_281] : memref<32x1000000xf32, #tpu.memory_space<hbm>> -> memref<32x128xf32, #tpu.memory_space<hbm>>
      tpu.wait_dma2 semaphore(%arg8 : memref<!tpu.dma_semaphore, #tpu.memory_space<semaphore_mem>>) src(%dma_wait3A_762 : memref<32x128xf32, #tpu.memory_space<hbm>>) dst(%dma_wait3A_760 : memref<32x128xf32, #tpu.memory_space<vmem>>)
      %dma_wait3A_763 = arith.constant 7 : i32
      %dma_wait3A_764 = arith.constant 0 : i32
      %dma_wait3A_765 = arith.constant 0 : i32
      %dma_wait3A_766 = tpu.memref_slice %arg6[%dma_wait3A_763, %dma_wait3A_764, %dma_wait3A_765] : memref<16x32x128xf32, #tpu.memory_space<vmem>> -> memref<1x32x128xf32, #tpu.memory_space<vmem>>
      %dma_wait3A_767 = tpu.memref_squeeze %dma_wait3A_766 : memref<1x32x128xf32, #tpu.memory_space<vmem>> -> memref<32x128xf32, #tpu.memory_space<vmem>>
      %dma_wait3A_768 = arith.constant 0 : i32
      %dma_wait3A_769 = tpu.memref_slice %arg2[%dma_wait3A_768, %multiple_of3A_323] : memref<32x1000000xf32, #tpu.memory_space<hbm>> -> memref<32x128xf32, #tpu.memory_space<hbm>>
      %dma_wait3A_770 = arith.constant 0 : i32
      %dma_wait3A_771 = arith.constant 0 : i32
      %dma_wait3A_772 = tpu.memref_slice %arg6[%dma_wait3A_763, %dma_wait3A_770, %dma_wait3A_771] : memref<16x32x128xf32, #tpu.memory_space<vmem>> -> memref<1x32x128xf32, #tpu.memory_space<vmem>>
      %dma_wait3A_773 = tpu.memref_squeeze %dma_wait3A_772 : memref<1x32x128xf32, #tpu.memory_space<vmem>> -> memref<32x128xf32, #tpu.memory_space<vmem>>
      %dma_wait3A_774 = arith.constant 0 : i32
      %dma_wait3A_775 = tpu.memref_slice %arg2[%dma_wait3A_774, %multiple_of3A_323] : memref<32x1000000xf32, #tpu.memory_space<hbm>> -> memref<32x128xf32, #tpu.memory_space<hbm>>
      tpu.wait_dma2 semaphore(%arg8 : memref<!tpu.dma_semaphore, #tpu.memory_space<semaphore_mem>>) src(%dma_wait3A_775 : memref<32x128xf32, #tpu.memory_space<hbm>>) dst(%dma_wait3A_773 : memref<32x128xf32, #tpu.memory_space<vmem>>)
      %dma_wait3A_776 = arith.constant 8 : i32
      %dma_wait3A_777 = arith.constant 0 : i32
      %dma_wait3A_778 = arith.constant 0 : i32
      %dma_wait3A_779 = tpu.memref_slice %arg6[%dma_wait3A_776, %dma_wait3A_777, %dma_wait3A_778] : memref<16x32x128xf32, #tpu.memory_space<vmem>> -> memref<1x32x128xf32, #tpu.memory_space<vmem>>
      %dma_wait3A_780 = tpu.memref_squeeze %dma_wait3A_779 : memref<1x32x128xf32, #tpu.memory_space<vmem>> -> memref<32x128xf32, #tpu.memory_space<vmem>>
      %dma_wait3A_781 = arith.constant 0 : i32
      %dma_wait3A_782 = tpu.memref_slice %arg2[%dma_wait3A_781, %multiple_of3A_365] : memref<32x1000000xf32, #tpu.memory_space<hbm>> -> memref<32x128xf32, #tpu.memory_space<hbm>>
      %dma_wait3A_783 = arith.constant 0 : i32
      %dma_wait3A_784 = arith.constant 0 : i32
      %dma_wait3A_785 = tpu.memref_slice %arg6[%dma_wait3A_776, %dma_wait3A_783, %dma_wait3A_784] : memref<16x32x128xf32, #tpu.memory_space<vmem>> -> memref<1x32x128xf32, #tpu.memory_space<vmem>>
      %dma_wait3A_786 = tpu.memref_squeeze %dma_wait3A_785 : memref<1x32x128xf32, #tpu.memory_space<vmem>> -> memref<32x128xf32, #tpu.memory_space<vmem>>
      %dma_wait3A_787 = arith.constant 0 : i32
      %dma_wait3A_788 = tpu.memref_slice %arg2[%dma_wait3A_787, %multiple_of3A_365] : memref<32x1000000xf32, #tpu.memory_space<hbm>> -> memref<32x128xf32, #tpu.memory_space<hbm>>
      tpu.wait_dma2 semaphore(%arg8 : memref<!tpu.dma_semaphore, #tpu.memory_space<semaphore_mem>>) src(%dma_wait3A_788 : memref<32x128xf32, #tpu.memory_space<hbm>>) dst(%dma_wait3A_786 : memref<32x128xf32, #tpu.memory_space<vmem>>)
      %dma_wait3A_789 = arith.constant 9 : i32
      %dma_wait3A_790 = arith.constant 0 : i32
      %dma_wait3A_791 = arith.constant 0 : i32
      %dma_wait3A_792 = tpu.memref_slice %arg6[%dma_wait3A_789, %dma_wait3A_790, %dma_wait3A_791] : memref<16x32x128xf32, #tpu.memory_space<vmem>> -> memref<1x32x128xf32, #tpu.memory_space<vmem>>
      %dma_wait3A_793 = tpu.memref_squeeze %dma_wait3A_792 : memref<1x32x128xf32, #tpu.memory_space<vmem>> -> memref<32x128xf32, #tpu.memory_space<vmem>>
      %dma_wait3A_794 = arith.constant 0 : i32
      %dma_wait3A_795 = tpu.memref_slice %arg2[%dma_wait3A_794, %multiple_of3A_407] : memref<32x1000000xf32, #tpu.memory_space<hbm>> -> memref<32x128xf32, #tpu.memory_space<hbm>>
      %dma_wait3A_796 = arith.constant 0 : i32
      %dma_wait3A_797 = arith.constant 0 : i32
      %dma_wait3A_798 = tpu.memref_slice %arg6[%dma_wait3A_789, %dma_wait3A_796, %dma_wait3A_797] : memref<16x32x128xf32, #tpu.memory_space<vmem>> -> memref<1x32x128xf32, #tpu.memory_space<vmem>>
      %dma_wait3A_799 = tpu.memref_squeeze %dma_wait3A_798 : memref<1x32x128xf32, #tpu.memory_space<vmem>> -> memref<32x128xf32, #tpu.memory_space<vmem>>
      %dma_wait3A_800 = arith.constant 0 : i32
      %dma_wait3A_801 = tpu.memref_slice %arg2[%dma_wait3A_800, %multiple_of3A_407] : memref<32x1000000xf32, #tpu.memory_space<hbm>> -> memref<32x128xf32, #tpu.memory_space<hbm>>
      tpu.wait_dma2 semaphore(%arg8 : memref<!tpu.dma_semaphore, #tpu.memory_space<semaphore_mem>>) src(%dma_wait3A_801 : memref<32x128xf32, #tpu.memory_space<hbm>>) dst(%dma_wait3A_799 : memref<32x128xf32, #tpu.memory_space<vmem>>)
      %dma_wait3A_802 = arith.constant 10 : i32
      %dma_wait3A_803 = arith.constant 0 : i32
      %dma_wait3A_804 = arith.constant 0 : i32
      %dma_wait3A_805 = tpu.memref_slice %arg6[%dma_wait3A_802, %dma_wait3A_803, %dma_wait3A_804] : memref<16x32x128xf32, #tpu.memory_space<vmem>> -> memref<1x32x128xf32, #tpu.memory_space<vmem>>
      %dma_wait3A_806 = tpu.memref_squeeze %dma_wait3A_805 : memref<1x32x128xf32, #tpu.memory_space<vmem>> -> memref<32x128xf32, #tpu.memory_space<vmem>>
      %dma_wait3A_807 = arith.constant 0 : i32
      %dma_wait3A_808 = tpu.memref_slice %arg2[%dma_wait3A_807, %multiple_of3A_449] : memref<32x1000000xf32, #tpu.memory_space<hbm>> -> memref<32x128xf32, #tpu.memory_space<hbm>>
      %dma_wait3A_809 = arith.constant 0 : i32
      %dma_wait3A_810 = arith.constant 0 : i32
      %dma_wait3A_811 = tpu.memref_slice %arg6[%dma_wait3A_802, %dma_wait3A_809, %dma_wait3A_810] : memref<16x32x128xf32, #tpu.memory_space<vmem>> -> memref<1x32x128xf32, #tpu.memory_space<vmem>>
      %dma_wait3A_812 = tpu.memref_squeeze %dma_wait3A_811 : memref<1x32x128xf32, #tpu.memory_space<vmem>> -> memref<32x128xf32, #tpu.memory_space<vmem>>
      %dma_wait3A_813 = arith.constant 0 : i32
      %dma_wait3A_814 = tpu.memref_slice %arg2[%dma_wait3A_813, %multiple_of3A_449] : memref<32x1000000xf32, #tpu.memory_space<hbm>> -> memref<32x128xf32, #tpu.memory_space<hbm>>
      tpu.wait_dma2 semaphore(%arg8 : memref<!tpu.dma_semaphore, #tpu.memory_space<semaphore_mem>>) src(%dma_wait3A_814 : memref<32x128xf32, #tpu.memory_space<hbm>>) dst(%dma_wait3A_812 : memref<32x128xf32, #tpu.memory_space<vmem>>)
      %dma_wait3A_815 = arith.constant 11 : i32
      %dma_wait3A_816 = arith.constant 0 : i32
      %dma_wait3A_817 = arith.constant 0 : i32
      %dma_wait3A_818 = tpu.memref_slice %arg6[%dma_wait3A_815, %dma_wait3A_816, %dma_wait3A_817] : memref<16x32x128xf32, #tpu.memory_space<vmem>> -> memref<1x32x128xf32, #tpu.memory_space<vmem>>
      %dma_wait3A_819 = tpu.memref_squeeze %dma_wait3A_818 : memref<1x32x128xf32, #tpu.memory_space<vmem>> -> memref<32x128xf32, #tpu.memory_space<vmem>>
      %dma_wait3A_820 = arith.constant 0 : i32
      %dma_wait3A_821 = tpu.memref_slice %arg2[%dma_wait3A_820, %multiple_of3A_491] : memref<32x1000000xf32, #tpu.memory_space<hbm>> -> memref<32x128xf32, #tpu.memory_space<hbm>>
      %dma_wait3A_822 = arith.constant 0 : i32
      %dma_wait3A_823 = arith.constant 0 : i32
      %dma_wait3A_824 = tpu.memref_slice %arg6[%dma_wait3A_815, %dma_wait3A_822, %dma_wait3A_823] : memref<16x32x128xf32, #tpu.memory_space<vmem>> -> memref<1x32x128xf32, #tpu.memory_space<vmem>>
      %dma_wait3A_825 = tpu.memref_squeeze %dma_wait3A_824 : memref<1x32x128xf32, #tpu.memory_space<vmem>> -> memref<32x128xf32, #tpu.memory_space<vmem>>
      %dma_wait3A_826 = arith.constant 0 : i32
      %dma_wait3A_827 = tpu.memref_slice %arg2[%dma_wait3A_826, %multiple_of3A_491] : memref<32x1000000xf32, #tpu.memory_space<hbm>> -> memref<32x128xf32, #tpu.memory_space<hbm>>
      tpu.wait_dma2 semaphore(%arg8 : memref<!tpu.dma_semaphore, #tpu.memory_space<semaphore_mem>>) src(%dma_wait3A_827 : memref<32x128xf32, #tpu.memory_space<hbm>>) dst(%dma_wait3A_825 : memref<32x128xf32, #tpu.memory_space<vmem>>)
      %dma_wait3A_828 = arith.constant 12 : i32
      %dma_wait3A_829 = arith.constant 0 : i32
      %dma_wait3A_830 = arith.constant 0 : i32
      %dma_wait3A_831 = tpu.memref_slice %arg6[%dma_wait3A_828, %dma_wait3A_829, %dma_wait3A_830] : memref<16x32x128xf32, #tpu.memory_space<vmem>> -> memref<1x32x128xf32, #tpu.memory_space<vmem>>
      %dma_wait3A_832 = tpu.memref_squeeze %dma_wait3A_831 : memref<1x32x128xf32, #tpu.memory_space<vmem>> -> memref<32x128xf32, #tpu.memory_space<vmem>>
      %dma_wait3A_833 = arith.constant 0 : i32
      %dma_wait3A_834 = tpu.memref_slice %arg2[%dma_wait3A_833, %multiple_of3A_533] : memref<32x1000000xf32, #tpu.memory_space<hbm>> -> memref<32x128xf32, #tpu.memory_space<hbm>>
      %dma_wait3A_835 = arith.constant 0 : i32
      %dma_wait3A_836 = arith.constant 0 : i32
      %dma_wait3A_837 = tpu.memref_slice %arg6[%dma_wait3A_828, %dma_wait3A_835, %dma_wait3A_836] : memref<16x32x128xf32, #tpu.memory_space<vmem>> -> memref<1x32x128xf32, #tpu.memory_space<vmem>>
      %dma_wait3A_838 = tpu.memref_squeeze %dma_wait3A_837 : memref<1x32x128xf32, #tpu.memory_space<vmem>> -> memref<32x128xf32, #tpu.memory_space<vmem>>
      %dma_wait3A_839 = arith.constant 0 : i32
      %dma_wait3A_840 = tpu.memref_slice %arg2[%dma_wait3A_839, %multiple_of3A_533] : memref<32x1000000xf32, #tpu.memory_space<hbm>> -> memref<32x128xf32, #tpu.memory_space<hbm>>
      tpu.wait_dma2 semaphore(%arg8 : memref<!tpu.dma_semaphore, #tpu.memory_space<semaphore_mem>>) src(%dma_wait3A_840 : memref<32x128xf32, #tpu.memory_space<hbm>>) dst(%dma_wait3A_838 : memref<32x128xf32, #tpu.memory_space<vmem>>)
      %dma_wait3A_841 = arith.constant 13 : i32
      %dma_wait3A_842 = arith.constant 0 : i32
      %dma_wait3A_843 = arith.constant 0 : i32
      %dma_wait3A_844 = tpu.memref_slice %arg6[%dma_wait3A_841, %dma_wait3A_842, %dma_wait3A_843] : memref<16x32x128xf32, #tpu.memory_space<vmem>> -> memref<1x32x128xf32, #tpu.memory_space<vmem>>
      %dma_wait3A_845 = tpu.memref_squeeze %dma_wait3A_844 : memref<1x32x128xf32, #tpu.memory_space<vmem>> -> memref<32x128xf32, #tpu.memory_space<vmem>>
      %dma_wait3A_846 = arith.constant 0 : i32
      %dma_wait3A_847 = tpu.memref_slice %arg2[%dma_wait3A_846, %multiple_of3A_575] : memref<32x1000000xf32, #tpu.memory_space<hbm>> -> memref<32x128xf32, #tpu.memory_space<hbm>>
      %dma_wait3A_848 = arith.constant 0 : i32
      %dma_wait3A_849 = arith.constant 0 : i32
      %dma_wait3A_850 = tpu.memref_slice %arg6[%dma_wait3A_841, %dma_wait3A_848, %dma_wait3A_849] : memref<16x32x128xf32, #tpu.memory_space<vmem>> -> memref<1x32x128xf32, #tpu.memory_space<vmem>>
      %dma_wait3A_851 = tpu.memref_squeeze %dma_wait3A_850 : memref<1x32x128xf32, #tpu.memory_space<vmem>> -> memref<32x128xf32, #tpu.memory_space<vmem>>
      %dma_wait3A_852 = arith.constant 0 : i32
      %dma_wait3A_853 = tpu.memref_slice %arg2[%dma_wait3A_852, %multiple_of3A_575] : memref<32x1000000xf32, #tpu.memory_space<hbm>> -> memref<32x128xf32, #tpu.memory_space<hbm>>
      tpu.wait_dma2 semaphore(%arg8 : memref<!tpu.dma_semaphore, #tpu.memory_space<semaphore_mem>>) src(%dma_wait3A_853 : memref<32x128xf32, #tpu.memory_space<hbm>>) dst(%dma_wait3A_851 : memref<32x128xf32, #tpu.memory_space<vmem>>)
      %dma_wait3A_854 = arith.constant 14 : i32
      %dma_wait3A_855 = arith.constant 0 : i32
      %dma_wait3A_856 = arith.constant 0 : i32
      %dma_wait3A_857 = tpu.memref_slice %arg6[%dma_wait3A_854, %dma_wait3A_855, %dma_wait3A_856] : memref<16x32x128xf32, #tpu.memory_space<vmem>> -> memref<1x32x128xf32, #tpu.memory_space<vmem>>
      %dma_wait3A_858 = tpu.memref_squeeze %dma_wait3A_857 : memref<1x32x128xf32, #tpu.memory_space<vmem>> -> memref<32x128xf32, #tpu.memory_space<vmem>>
      %dma_wait3A_859 = arith.constant 0 : i32
      %dma_wait3A_860 = tpu.memref_slice %arg2[%dma_wait3A_859, %multiple_of3A_617] : memref<32x1000000xf32, #tpu.memory_space<hbm>> -> memref<32x128xf32, #tpu.memory_space<hbm>>
      %dma_wait3A_861 = arith.constant 0 : i32
      %dma_wait3A_862 = arith.constant 0 : i32
      %dma_wait3A_863 = tpu.memref_slice %arg6[%dma_wait3A_854, %dma_wait3A_861, %dma_wait3A_862] : memref<16x32x128xf32, #tpu.memory_space<vmem>> -> memref<1x32x128xf32, #tpu.memory_space<vmem>>
      %dma_wait3A_864 = tpu.memref_squeeze %dma_wait3A_863 : memref<1x32x128xf32, #tpu.memory_space<vmem>> -> memref<32x128xf32, #tpu.memory_space<vmem>>
      %dma_wait3A_865 = arith.constant 0 : i32
      %dma_wait3A_866 = tpu.memref_slice %arg2[%dma_wait3A_865, %multiple_of3A_617] : memref<32x1000000xf32, #tpu.memory_space<hbm>> -> memref<32x128xf32, #tpu.memory_space<hbm>>
      tpu.wait_dma2 semaphore(%arg8 : memref<!tpu.dma_semaphore, #tpu.memory_space<semaphore_mem>>) src(%dma_wait3A_866 : memref<32x128xf32, #tpu.memory_space<hbm>>) dst(%dma_wait3A_864 : memref<32x128xf32, #tpu.memory_space<vmem>>)
      %dma_wait3A_867 = arith.constant 15 : i32
      %dma_wait3A_868 = arith.constant 0 : i32
      %dma_wait3A_869 = arith.constant 0 : i32
      %dma_wait3A_870 = tpu.memref_slice %arg6[%dma_wait3A_867, %dma_wait3A_868, %dma_wait3A_869] : memref<16x32x128xf32, #tpu.memory_space<vmem>> -> memref<1x32x128xf32, #tpu.memory_space<vmem>>
      %dma_wait3A_871 = tpu.memref_squeeze %dma_wait3A_870 : memref<1x32x128xf32, #tpu.memory_space<vmem>> -> memref<32x128xf32, #tpu.memory_space<vmem>>
      %dma_wait3A_872 = arith.constant 0 : i32
      %dma_wait3A_873 = tpu.memref_slice %arg2[%dma_wait3A_872, %multiple_of3A_659] : memref<32x1000000xf32, #tpu.memory_space<hbm>> -> memref<32x128xf32, #tpu.memory_space<hbm>>
      %dma_wait3A_874 = arith.constant 0 : i32
      %dma_wait3A_875 = arith.constant 0 : i32
      %dma_wait3A_876 = tpu.memref_slice %arg6[%dma_wait3A_867, %dma_wait3A_874, %dma_wait3A_875] : memref<16x32x128xf32, #tpu.memory_space<vmem>> -> memref<1x32x128xf32, #tpu.memory_space<vmem>>
      %dma_wait3A_877 = tpu.memref_squeeze %dma_wait3A_876 : memref<1x32x128xf32, #tpu.memory_space<vmem>> -> memref<32x128xf32, #tpu.memory_space<vmem>>
      %dma_wait3A_878 = arith.constant 0 : i32
      %dma_wait3A_879 = tpu.memref_slice %arg2[%dma_wait3A_878, %multiple_of3A_659] : memref<32x1000000xf32, #tpu.memory_space<hbm>> -> memref<32x128xf32, #tpu.memory_space<hbm>>
      tpu.wait_dma2 semaphore(%arg8 : memref<!tpu.dma_semaphore, #tpu.memory_space<semaphore_mem>>) src(%dma_wait3A_879 : memref<32x128xf32, #tpu.memory_space<hbm>>) dst(%dma_wait3A_877 : memref<32x128xf32, #tpu.memory_space<vmem>>)
      %rem3A_880 = arith.constant 128 : i32
      %rem3A_881 = vector.broadcast %rem3A_880 : i32 to vector<16xi32>
      %rem3A_882 = arith.remsi %get3A_11, %rem3A_881 : vector<16xi32>
      %mul3A_883 = arith.constant 16 : i32
      %mul3A_884 = arith.muli %scan3A_8, %mul3A_883 : i32
      %broadcast_in_dim3A = arith.constant 0 : i32
      %broadcast_in_dim3A_885 = vector.broadcast %broadcast_in_dim3A : i32 to vector<16xi32>
      %gather3A = tpu.vector_load_idx %arg6[%iota3A, %broadcast_in_dim3A_885, %rem3A_882] : memref<16x32x128xf32, #tpu.memory_space<vmem>>[vector<16xi32>, vector<16xi32>, vector<16xi32>], vector<16xf32>,
      %add3A_886 = vector.broadcast %mul3A_884 : i32 to vector<16xi32>
      %add3A_887 = arith.addi %iota3A, %add3A_886 : vector<16xi32>
      tpu.vector_store_idx %arg7[%broadcast_in_dim3A_885, %add3A_887], %gather3A : memref<32x512xf32, #tpu.memory_space<vmem>>[vector<16xi32>, vector<16xi32>], vector<16xf32>,
      %broadcast_in_dim3A_888 = arith.constant 1 : i32
      %broadcast_in_dim3A_889 = vector.broadcast %broadcast_in_dim3A_888 : i32 to vector<16xi32>
      %gather3A_890 = tpu.vector_load_idx %arg6[%iota3A, %broadcast_in_dim3A_889, %rem3A_882] : memref<16x32x128xf32, #tpu.memory_space<vmem>>[vector<16xi32>, vector<16xi32>, vector<16xi32>], vector<16xf32>,
      %add3A_891 = vector.broadcast %mul3A_884 : i32 to vector<16xi32>
      %add3A_892 = arith.addi %iota3A, %add3A_891 : vector<16xi32>
      tpu.vector_store_idx %arg7[%broadcast_in_dim3A_889, %add3A_892], %gather3A_890 : memref<32x512xf32, #tpu.memory_space<vmem>>[vector<16xi32>, vector<16xi32>], vector<16xf32>,
      %broadcast_in_dim3A_893 = arith.constant 2 : i32
      %broadcast_in_dim3A_894 = vector.broadcast %broadcast_in_dim3A_893 : i32 to vector<16xi32>
      %gather3A_895 = tpu.vector_load_idx %arg6[%iota3A, %broadcast_in_dim3A_894, %rem3A_882] : memref<16x32x128xf32, #tpu.memory_space<vmem>>[vector<16xi32>, vector<16xi32>, vector<16xi32>], vector<16xf32>,
      %add3A_896 = vector.broadcast %mul3A_884 : i32 to vector<16xi32>
      %add3A_897 = arith.addi %iota3A, %add3A_896 : vector<16xi32>
      tpu.vector_store_idx %arg7[%broadcast_in_dim3A_894, %add3A_897], %gather3A_895 : memref<32x512xf32, #tpu.memory_space<vmem>>[vector<16xi32>, vector<16xi32>], vector<16xf32>,
      %broadcast_in_dim3A_898 = arith.constant 3 : i32
      %broadcast_in_dim3A_899 = vector.broadcast %broadcast_in_dim3A_898 : i32 to vector<16xi32>
      %gather3A_900 = tpu.vector_load_idx %arg6[%iota3A, %broadcast_in_dim3A_899, %rem3A_882] : memref<16x32x128xf32, #tpu.memory_space<vmem>>[vector<16xi32>, vector<16xi32>, vector<16xi32>], vector<16xf32>,
      %add3A_901 = vector.broadcast %mul3A_884 : i32 to vector<16xi32>
      %add3A_902 = arith.addi %iota3A, %add3A_901 : vector<16xi32>
      tpu.vector_store_idx %arg7[%broadcast_in_dim3A_899, %add3A_902], %gather3A_900 : memref<32x512xf32, #tpu.memory_space<vmem>>[vector<16xi32>, vector<16xi32>], vector<16xf32>,
      %broadcast_in_dim3A_903 = arith.constant 4 : i32
      %broadcast_in_dim3A_904 = vector.broadcast %broadcast_in_dim3A_903 : i32 to vector<16xi32>
      %gather3A_905 = tpu.vector_load_idx %arg6[%iota3A, %broadcast_in_dim3A_904, %rem3A_882] : memref<16x32x128xf32, #tpu.memory_space<vmem>>[vector<16xi32>, vector<16xi32>, vector<16xi32>], vector<16xf32>,
      %add3A_906 = vector.broadcast %mul3A_884 : i32 to vector<16xi32>
      %add3A_907 = arith.addi %iota3A, %add3A_906 : vector<16xi32>
      tpu.vector_store_idx %arg7[%broadcast_in_dim3A_904, %add3A_907], %gather3A_905 : memref<32x512xf32, #tpu.memory_space<vmem>>[vector<16xi32>, vector<16xi32>], vector<16xf32>,
      %broadcast_in_dim3A_908 = arith.constant 5 : i32
      %broadcast_in_dim3A_909 = vector.broadcast %broadcast_in_dim3A_908 : i32 to vector<16xi32>
      %gather3A_910 = tpu.vector_load_idx %arg6[%iota3A, %broadcast_in_dim3A_909, %rem3A_882] : memref<16x32x128xf32, #tpu.memory_space<vmem>>[vector<16xi32>, vector<16xi32>, vector<16xi32>], vector<16xf32>,
      %add3A_911 = vector.broadcast %mul3A_884 : i32 to vector<16xi32>
      %add3A_912 = arith.addi %iota3A, %add3A_911 : vector<16xi32>
      tpu.vector_store_idx %arg7[%broadcast_in_dim3A_909, %add3A_912], %gather3A_910 : memref<32x512xf32, #tpu.memory_space<vmem>>[vector<16xi32>, vector<16xi32>], vector<16xf32>,
      %broadcast_in_dim3A_913 = arith.constant 6 : i32
      %broadcast_in_dim3A_914 = vector.broadcast %broadcast_in_dim3A_913 : i32 to vector<16xi32>
      %gather3A_915 = tpu.vector_load_idx %arg6[%iota3A, %broadcast_in_dim3A_914, %rem3A_882] : memref<16x32x128xf32, #tpu.memory_space<vmem>>[vector<16xi32>, vector<16xi32>, vector<16xi32>], vector<16xf32>,
      %add3A_916 = vector.broadcast %mul3A_884 : i32 to vector<16xi32>
      %add3A_917 = arith.addi %iota3A, %add3A_916 : vector<16xi32>
      tpu.vector_store_idx %arg7[%broadcast_in_dim3A_914, %add3A_917], %gather3A_915 : memref<32x512xf32, #tpu.memory_space<vmem>>[vector<16xi32>, vector<16xi32>], vector<16xf32>,
      %broadcast_in_dim3A_918 = arith.constant 7 : i32
      %broadcast_in_dim3A_919 = vector.broadcast %broadcast_in_dim3A_918 : i32 to vector<16xi32>
      %gather3A_920 = tpu.vector_load_idx %arg6[%iota3A, %broadcast_in_dim3A_919, %rem3A_882] : memref<16x32x128xf32, #tpu.memory_space<vmem>>[vector<16xi32>, vector<16xi32>, vector<16xi32>], vector<16xf32>,
      %add3A_921 = vector.broadcast %mul3A_884 : i32 to vector<16xi32>
      %add3A_922 = arith.addi %iota3A, %add3A_921 : vector<16xi32>
      tpu.vector_store_idx %arg7[%broadcast_in_dim3A_919, %add3A_922], %gather3A_920 : memref<32x512xf32, #tpu.memory_space<vmem>>[vector<16xi32>, vector<16xi32>], vector<16xf32>,
      %broadcast_in_dim3A_923 = arith.constant 8 : i32
      %broadcast_in_dim3A_924 = vector.broadcast %broadcast_in_dim3A_923 : i32 to vector<16xi32>
      %gather3A_925 = tpu.vector_load_idx %arg6[%iota3A, %broadcast_in_dim3A_924, %rem3A_882] : memref<16x32x128xf32, #tpu.memory_space<vmem>>[vector<16xi32>, vector<16xi32>, vector<16xi32>], vector<16xf32>,
      %add3A_926 = vector.broadcast %mul3A_884 : i32 to vector<16xi32>
      %add3A_927 = arith.addi %iota3A, %add3A_926 : vector<16xi32>
      tpu.vector_store_idx %arg7[%broadcast_in_dim3A_924, %add3A_927], %gather3A_925 : memref<32x512xf32, #tpu.memory_space<vmem>>[vector<16xi32>, vector<16xi32>], vector<16xf32>,
      %broadcast_in_dim3A_928 = arith.constant 9 : i32
      %broadcast_in_dim3A_929 = vector.broadcast %broadcast_in_dim3A_928 : i32 to vector<16xi32>
      %gather3A_930 = tpu.vector_load_idx %arg6[%iota3A, %broadcast_in_dim3A_929, %rem3A_882] : memref<16x32x128xf32, #tpu.memory_space<vmem>>[vector<16xi32>, vector<16xi32>, vector<16xi32>], vector<16xf32>,
      %add3A_931 = vector.broadcast %mul3A_884 : i32 to vector<16xi32>
      %add3A_932 = arith.addi %iota3A, %add3A_931 : vector<16xi32>
      tpu.vector_store_idx %arg7[%broadcast_in_dim3A_929, %add3A_932], %gather3A_930 : memref<32x512xf32, #tpu.memory_space<vmem>>[vector<16xi32>, vector<16xi32>], vector<16xf32>,
      %broadcast_in_dim3A_933 = arith.constant 10 : i32
      %broadcast_in_dim3A_934 = vector.broadcast %broadcast_in_dim3A_933 : i32 to vector<16xi32>
      %gather3A_935 = tpu.vector_load_idx %arg6[%iota3A, %broadcast_in_dim3A_934, %rem3A_882] : memref<16x32x128xf32, #tpu.memory_space<vmem>>[vector<16xi32>, vector<16xi32>, vector<16xi32>], vector<16xf32>,
      %add3A_936 = vector.broadcast %mul3A_884 : i32 to vector<16xi32>
      %add3A_937 = arith.addi %iota3A, %add3A_936 : vector<16xi32>
      tpu.vector_store_idx %arg7[%broadcast_in_dim3A_934, %add3A_937], %gather3A_935 : memref<32x512xf32, #tpu.memory_space<vmem>>[vector<16xi32>, vector<16xi32>], vector<16xf32>,
      %broadcast_in_dim3A_938 = arith.constant 11 : i32
      %broadcast_in_dim3A_939 = vector.broadcast %broadcast_in_dim3A_938 : i32 to vector<16xi32>
      %gather3A_940 = tpu.vector_load_idx %arg6[%iota3A, %broadcast_in_dim3A_939, %rem3A_882] : memref<16x32x128xf32, #tpu.memory_space<vmem>>[vector<16xi32>, vector<16xi32>, vector<16xi32>], vector<16xf32>,
      %add3A_941 = vector.broadcast %mul3A_884 : i32 to vector<16xi32>
      %add3A_942 = arith.addi %iota3A, %add3A_941 : vector<16xi32>
      tpu.vector_store_idx %arg7[%broadcast_in_dim3A_939, %add3A_942], %gather3A_940 : memref<32x512xf32, #tpu.memory_space<vmem>>[vector<16xi32>, vector<16xi32>], vector<16xf32>,
      %broadcast_in_dim3A_943 = arith.constant 12 : i32
      %broadcast_in_dim3A_944 = vector.broadcast %broadcast_in_dim3A_943 : i32 to vector<16xi32>
      %gather3A_945 = tpu.vector_load_idx %arg6[%iota3A, %broadcast_in_dim3A_944, %rem3A_882] : memref<16x32x128xf32, #tpu.memory_space<vmem>>[vector<16xi32>, vector<16xi32>, vector<16xi32>], vector<16xf32>,
      %add3A_946 = vector.broadcast %mul3A_884 : i32 to vector<16xi32>
      %add3A_947 = arith.addi %iota3A, %add3A_946 : vector<16xi32>
      tpu.vector_store_idx %arg7[%broadcast_in_dim3A_944, %add3A_947], %gather3A_945 : memref<32x512xf32, #tpu.memory_space<vmem>>[vector<16xi32>, vector<16xi32>], vector<16xf32>,
      %broadcast_in_dim3A_948 = arith.constant 13 : i32
      %broadcast_in_dim3A_949 = vector.broadcast %broadcast_in_dim3A_948 : i32 to vector<16xi32>
      %gather3A_950 = tpu.vector_load_idx %arg6[%iota3A, %broadcast_in_dim3A_949, %rem3A_882] : memref<16x32x128xf32, #tpu.memory_space<vmem>>[vector<16xi32>, vector<16xi32>, vector<16xi32>], vector<16xf32>,
      %add3A_951 = vector.broadcast %mul3A_884 : i32 to vector<16xi32>
      %add3A_952 = arith.addi %iota3A, %add3A_951 : vector<16xi32>
      tpu.vector_store_idx %arg7[%broadcast_in_dim3A_949, %add3A_952], %gather3A_950 : memref<32x512xf32, #tpu.memory_space<vmem>>[vector<16xi32>, vector<16xi32>], vector<16xf32>,
      %broadcast_in_dim3A_953 = arith.constant 14 : i32
      %broadcast_in_dim3A_954 = vector.broadcast %broadcast_in_dim3A_953 : i32 to vector<16xi32>
      %gather3A_955 = tpu.vector_load_idx %arg6[%iota3A, %broadcast_in_dim3A_954, %rem3A_882] : memref<16x32x128xf32, #tpu.memory_space<vmem>>[vector<16xi32>, vector<16xi32>, vector<16xi32>], vector<16xf32>,
      %add3A_956 = vector.broadcast %mul3A_884 : i32 to vector<16xi32>
      %add3A_957 = arith.addi %iota3A, %add3A_956 : vector<16xi32>
      tpu.vector_store_idx %arg7[%broadcast_in_dim3A_954, %add3A_957], %gather3A_955 : memref<32x512xf32, #tpu.memory_space<vmem>>[vector<16xi32>, vector<16xi32>], vector<16xf32>,
      %broadcast_in_dim3A_958 = arith.constant 15 : i32
      %broadcast_in_dim3A_959 = vector.broadcast %broadcast_in_dim3A_958 : i32 to vector<16xi32>
      %gather3A_960 = tpu.vector_load_idx %arg6[%iota3A, %broadcast_in_dim3A_959, %rem3A_882] : memref<16x32x128xf32, #tpu.memory_space<vmem>>[vector<16xi32>, vector<16xi32>, vector<16xi32>], vector<16xf32>,
      %add3A_961 = vector.broadcast %mul3A_884 : i32 to vector<16xi32>
      %add3A_962 = arith.addi %iota3A, %add3A_961 : vector<16xi32>
      tpu.vector_store_idx %arg7[%broadcast_in_dim3A_959, %add3A_962], %gather3A_960 : memref<32x512xf32, #tpu.memory_space<vmem>>[vector<16xi32>, vector<16xi32>], vector<16xf32>,
      %broadcast_in_dim3A_963 = arith.constant 16 : i32
      %broadcast_in_dim3A_964 = vector.broadcast %broadcast_in_dim3A_963 : i32 to vector<16xi32>
      %gather3A_965 = tpu.vector_load_idx %arg6[%iota3A, %broadcast_in_dim3A_964, %rem3A_882] : memref<16x32x128xf32, #tpu.memory_space<vmem>>[vector<16xi32>, vector<16xi32>, vector<16xi32>], vector<16xf32>,
      %add3A_966 = vector.broadcast %mul3A_884 : i32 to vector<16xi32>
      %add3A_967 = arith.addi %iota3A, %add3A_966 : vector<16xi32>
      tpu.vector_store_idx %arg7[%broadcast_in_dim3A_964, %add3A_967], %gather3A_965 : memref<32x512xf32, #tpu.memory_space<vmem>>[vector<16xi32>, vector<16xi32>], vector<16xf32>,
      %broadcast_in_dim3A_968 = arith.constant 17 : i32
      %broadcast_in_dim3A_969 = vector.broadcast %broadcast_in_dim3A_968 : i32 to vector<16xi32>
      %gather3A_970 = tpu.vector_load_idx %arg6[%iota3A, %broadcast_in_dim3A_969, %rem3A_882] : memref<16x32x128xf32, #tpu.memory_space<vmem>>[vector<16xi32>, vector<16xi32>, vector<16xi32>], vector<16xf32>,
      %add3A_971 = vector.broadcast %mul3A_884 : i32 to vector<16xi32>
      %add3A_972 = arith.addi %iota3A, %add3A_971 : vector<16xi32>
      tpu.vector_store_idx %arg7[%broadcast_in_dim3A_969, %add3A_972], %gather3A_970 : memref<32x512xf32, #tpu.memory_space<vmem>>[vector<16xi32>, vector<16xi32>], vector<16xf32>,
      %broadcast_in_dim3A_973 = arith.constant 18 : i32
      %broadcast_in_dim3A_974 = vector.broadcast %broadcast_in_dim3A_973 : i32 to vector<16xi32>
      %gather3A_975 = tpu.vector_load_idx %arg6[%iota3A, %broadcast_in_dim3A_974, %rem3A_882] : memref<16x32x128xf32, #tpu.memory_space<vmem>>[vector<16xi32>, vector<16xi32>, vector<16xi32>], vector<16xf32>,
      %add3A_976 = vector.broadcast %mul3A_884 : i32 to vector<16xi32>
      %add3A_977 = arith.addi %iota3A, %add3A_976 : vector<16xi32>
      tpu.vector_store_idx %arg7[%broadcast_in_dim3A_974, %add3A_977], %gather3A_975 : memref<32x512xf32, #tpu.memory_space<vmem>>[vector<16xi32>, vector<16xi32>], vector<16xf32>,
      %broadcast_in_dim3A_978 = arith.constant 19 : i32
      %broadcast_in_dim3A_979 = vector.broadcast %broadcast_in_dim3A_978 : i32 to vector<16xi32>
      %gather3A_980 = tpu.vector_load_idx %arg6[%iota3A, %broadcast_in_dim3A_979, %rem3A_882] : memref<16x32x128xf32, #tpu.memory_space<vmem>>[vector<16xi32>, vector<16xi32>, vector<16xi32>], vector<16xf32>,
      %add3A_981 = vector.broadcast %mul3A_884 : i32 to vector<16xi32>
      %add3A_982 = arith.addi %iota3A, %add3A_981 : vector<16xi32>
      tpu.vector_store_idx %arg7[%broadcast_in_dim3A_979, %add3A_982], %gather3A_980 : memref<32x512xf32, #tpu.memory_space<vmem>>[vector<16xi32>, vector<16xi32>], vector<16xf32>,
      %broadcast_in_dim3A_983 = arith.constant 20 : i32
      %broadcast_in_dim3A_984 = vector.broadcast %broadcast_in_dim3A_983 : i32 to vector<16xi32>
      %gather3A_985 = tpu.vector_load_idx %arg6[%iota3A, %broadcast_in_dim3A_984, %rem3A_882] : memref<16x32x128xf32, #tpu.memory_space<vmem>>[vector<16xi32>, vector<16xi32>, vector<16xi32>], vector<16xf32>,
      %add3A_986 = vector.broadcast %mul3A_884 : i32 to vector<16xi32>
      %add3A_987 = arith.addi %iota3A, %add3A_986 : vector<16xi32>
      tpu.vector_store_idx %arg7[%broadcast_in_dim3A_984, %add3A_987], %gather3A_985 : memref<32x512xf32, #tpu.memory_space<vmem>>[vector<16xi32>, vector<16xi32>], vector<16xf32>,
      %broadcast_in_dim3A_988 = arith.constant 21 : i32
      %broadcast_in_dim3A_989 = vector.broadcast %broadcast_in_dim3A_988 : i32 to vector<16xi32>
      %gather3A_990 = tpu.vector_load_idx %arg6[%iota3A, %broadcast_in_dim3A_989, %rem3A_882] : memref<16x32x128xf32, #tpu.memory_space<vmem>>[vector<16xi32>, vector<16xi32>, vector<16xi32>], vector<16xf32>,
      %add3A_991 = vector.broadcast %mul3A_884 : i32 to vector<16xi32>
      %add3A_992 = arith.addi %iota3A, %add3A_991 : vector<16xi32>
      tpu.vector_store_idx %arg7[%broadcast_in_dim3A_989, %add3A_992], %gather3A_990 : memref<32x512xf32, #tpu.memory_space<vmem>>[vector<16xi32>, vector<16xi32>], vector<16xf32>,
      %broadcast_in_dim3A_993 = arith.constant 22 : i32
      %broadcast_in_dim3A_994 = vector.broadcast %broadcast_in_dim3A_993 : i32 to vector<16xi32>
      %gather3A_995 = tpu.vector_load_idx %arg6[%iota3A, %broadcast_in_dim3A_994, %rem3A_882] : memref<16x32x128xf32, #tpu.memory_space<vmem>>[vector<16xi32>, vector<16xi32>, vector<16xi32>], vector<16xf32>,
      %add3A_996 = vector.broadcast %mul3A_884 : i32 to vector<16xi32>
      %add3A_997 = arith.addi %iota3A, %add3A_996 : vector<16xi32>
      tpu.vector_store_idx %arg7[%broadcast_in_dim3A_994, %add3A_997], %gather3A_995 : memref<32x512xf32, #tpu.memory_space<vmem>>[vector<16xi32>, vector<16xi32>], vector<16xf32>,
      %broadcast_in_dim3A_998 = arith.constant 23 : i32
      %broadcast_in_dim3A_999 = vector.broadcast %broadcast_in_dim3A_998 : i32 to vector<16xi32>
      %gather3A_1000 = tpu.vector_load_idx %arg6[%iota3A, %broadcast_in_dim3A_999, %rem3A_882] : memref<16x32x128xf32, #tpu.memory_space<vmem>>[vector<16xi32>, vector<16xi32>, vector<16xi32>], vector<16xf32>,
      %add3A_1001 = vector.broadcast %mul3A_884 : i32 to vector<16xi32>
      %add3A_1002 = arith.addi %iota3A, %add3A_1001 : vector<16xi32>
      tpu.vector_store_idx %arg7[%broadcast_in_dim3A_999, %add3A_1002], %gather3A_1000 : memref<32x512xf32, #tpu.memory_space<vmem>>[vector<16xi32>, vector<16xi32>], vector<16xf32>,
      %broadcast_in_dim3A_1003 = arith.constant 24 : i32
      %broadcast_in_dim3A_1004 = vector.broadcast %broadcast_in_dim3A_1003 : i32 to vector<16xi32>
      %gather3A_1005 = tpu.vector_load_idx %arg6[%iota3A, %broadcast_in_dim3A_1004, %rem3A_882] : memref<16x32x128xf32, #tpu.memory_space<vmem>>[vector<16xi32>, vector<16xi32>, vector<16xi32>], vector<16xf32>,
      %add3A_1006 = vector.broadcast %mul3A_884 : i32 to vector<16xi32>
      %add3A_1007 = arith.addi %iota3A, %add3A_1006 : vector<16xi32>
      tpu.vector_store_idx %arg7[%broadcast_in_dim3A_1004, %add3A_1007], %gather3A_1005 : memref<32x512xf32, #tpu.memory_space<vmem>>[vector<16xi32>, vector<16xi32>], vector<16xf32>,
      %broadcast_in_dim3A_1008 = arith.constant 25 : i32
      %broadcast_in_dim3A_1009 = vector.broadcast %broadcast_in_dim3A_1008 : i32 to vector<16xi32>
      %gather3A_1010 = tpu.vector_load_idx %arg6[%iota3A, %broadcast_in_dim3A_1009, %rem3A_882] : memref<16x32x128xf32, #tpu.memory_space<vmem>>[vector<16xi32>, vector<16xi32>, vector<16xi32>], vector<16xf32>,
      %add3A_1011 = vector.broadcast %mul3A_884 : i32 to vector<16xi32>
      %add3A_1012 = arith.addi %iota3A, %add3A_1011 : vector<16xi32>
      tpu.vector_store_idx %arg7[%broadcast_in_dim3A_1009, %add3A_1012], %gather3A_1010 : memref<32x512xf32, #tpu.memory_space<vmem>>[vector<16xi32>, vector<16xi32>], vector<16xf32>,
      %broadcast_in_dim3A_1013 = arith.constant 26 : i32
      %broadcast_in_dim3A_1014 = vector.broadcast %broadcast_in_dim3A_1013 : i32 to vector<16xi32>
      %gather3A_1015 = tpu.vector_load_idx %arg6[%iota3A, %broadcast_in_dim3A_1014, %rem3A_882] : memref<16x32x128xf32, #tpu.memory_space<vmem>>[vector<16xi32>, vector<16xi32>, vector<16xi32>], vector<16xf32>,
      %add3A_1016 = vector.broadcast %mul3A_884 : i32 to vector<16xi32>
      %add3A_1017 = arith.addi %iota3A, %add3A_1016 : vector<16xi32>
      tpu.vector_store_idx %arg7[%broadcast_in_dim3A_1014, %add3A_1017], %gather3A_1015 : memref<32x512xf32, #tpu.memory_space<vmem>>[vector<16xi32>, vector<16xi32>], vector<16xf32>,
      %broadcast_in_dim3A_1018 = arith.constant 27 : i32
      %broadcast_in_dim3A_1019 = vector.broadcast %broadcast_in_dim3A_1018 : i32 to vector<16xi32>
      %gather3A_1020 = tpu.vector_load_idx %arg6[%iota3A, %broadcast_in_dim3A_1019, %rem3A_882] : memref<16x32x128xf32, #tpu.memory_space<vmem>>[vector<16xi32>, vector<16xi32>, vector<16xi32>], vector<16xf32>,
      %add3A_1021 = vector.broadcast %mul3A_884 : i32 to vector<16xi32>
      %add3A_1022 = arith.addi %iota3A, %add3A_1021 : vector<16xi32>
      tpu.vector_store_idx %arg7[%broadcast_in_dim3A_1019, %add3A_1022], %gather3A_1020 : memref<32x512xf32, #tpu.memory_space<vmem>>[vector<16xi32>, vector<16xi32>], vector<16xf32>,
      %broadcast_in_dim3A_1023 = arith.constant 28 : i32
      %broadcast_in_dim3A_1024 = vector.broadcast %broadcast_in_dim3A_1023 : i32 to vector<16xi32>
      %gather3A_1025 = tpu.vector_load_idx %arg6[%iota3A, %broadcast_in_dim3A_1024, %rem3A_882] : memref<16x32x128xf32, #tpu.memory_space<vmem>>[vector<16xi32>, vector<16xi32>, vector<16xi32>], vector<16xf32>,
      %add3A_1026 = vector.broadcast %mul3A_884 : i32 to vector<16xi32>
      %add3A_1027 = arith.addi %iota3A, %add3A_1026 : vector<16xi32>
      tpu.vector_store_idx %arg7[%broadcast_in_dim3A_1024, %add3A_1027], %gather3A_1025 : memref<32x512xf32, #tpu.memory_space<vmem>>[vector<16xi32>, vector<16xi32>], vector<16xf32>,
      %broadcast_in_dim3A_1028 = arith.constant 29 : i32
      %broadcast_in_dim3A_1029 = vector.broadcast %broadcast_in_dim3A_1028 : i32 to vector<16xi32>
      %gather3A_1030 = tpu.vector_load_idx %arg6[%iota3A, %broadcast_in_dim3A_1029, %rem3A_882] : memref<16x32x128xf32, #tpu.memory_space<vmem>>[vector<16xi32>, vector<16xi32>, vector<16xi32>], vector<16xf32>,
      %add3A_1031 = vector.broadcast %mul3A_884 : i32 to vector<16xi32>
      %add3A_1032 = arith.addi %iota3A, %add3A_1031 : vector<16xi32>
      tpu.vector_store_idx %arg7[%broadcast_in_dim3A_1029, %add3A_1032], %gather3A_1030 : memref<32x512xf32, #tpu.memory_space<vmem>>[vector<16xi32>, vector<16xi32>], vector<16xf32>,
      %broadcast_in_dim3A_1033 = arith.constant 30 : i32
      %broadcast_in_dim3A_1034 = vector.broadcast %broadcast_in_dim3A_1033 : i32 to vector<16xi32>
      %gather3A_1035 = tpu.vector_load_idx %arg6[%iota3A, %broadcast_in_dim3A_1034, %rem3A_882] : memref<16x32x128xf32, #tpu.memory_space<vmem>>[vector<16xi32>, vector<16xi32>, vector<16xi32>], vector<16xf32>,
      %add3A_1036 = vector.broadcast %mul3A_884 : i32 to vector<16xi32>
      %add3A_1037 = arith.addi %iota3A, %add3A_1036 : vector<16xi32>
      tpu.vector_store_idx %arg7[%broadcast_in_dim3A_1034, %add3A_1037], %gather3A_1035 : memref<32x512xf32, #tpu.memory_space<vmem>>[vector<16xi32>, vector<16xi32>], vector<16xf32>,
      %broadcast_in_dim3A_1038 = arith.constant 31 : i32
      %broadcast_in_dim3A_1039 = vector.broadcast %broadcast_in_dim3A_1038 : i32 to vector<16xi32>
      %gather3A_1040 = tpu.vector_load_idx %arg6[%iota3A, %broadcast_in_dim3A_1039, %rem3A_882] : memref<16x32x128xf32, #tpu.memory_space<vmem>>[vector<16xi32>, vector<16xi32>, vector<16xi32>], vector<16xf32>,
      %add3A_1041 = vector.broadcast %mul3A_884 : i32 to vector<16xi32>
      %add3A_1042 = arith.addi %iota3A, %add3A_1041 : vector<16xi32>
      tpu.vector_store_idx %arg7[%broadcast_in_dim3A_1039, %add3A_1042], %gather3A_1040 : memref<32x512xf32, #tpu.memory_space<vmem>>[vector<16xi32>, vector<16xi32>], vector<16xf32>,
    }
    %scan3A_7 = arith.constant 32 : i32
    %multiple_of3A = tpu.assume_multiple %mul3A_2, 128 : i32
    "tpu.region"() ({
      %run_scoped3A = tpu.sem_alloc : memref<!tpu.dma_semaphore, #tpu.memory_space<semaphore_mem>>
      %dma_start3A = arith.constant 0 : i32
      %dma_start3A_8 = tpu.memref_slice %arg4[%dma_start3A, %multiple_of3A] : memref<32x16384xf32, #tpu.memory_space<hbm>> -> memref<32x512xf32, #tpu.memory_space<hbm>>
      %dma_start3A_9 = arith.constant 0 : i32
      %dma_start3A_10 = tpu.memref_slice %arg4[%dma_start3A_9, %multiple_of3A] : memref<32x16384xf32, #tpu.memory_space<hbm>> -> memref<32x512xf32, #tpu.memory_space<hbm>>
      tpu.enqueue_dma source(%arg7 : memref<32x512xf32, #tpu.memory_space<vmem>>) target(%dma_start3A_10 : memref<32x512xf32, #tpu.memory_space<hbm>>) target_semaphore(%run_scoped3A : memref<!tpu.dma_semaphore, #tpu.memory_space<semaphore_mem>>)
      %dma_wait3A = arith.constant 0 : i32
      %dma_wait3A_11 = tpu.memref_slice %arg4[%dma_wait3A, %multiple_of3A] : memref<32x16384xf32, #tpu.memory_space<hbm>> -> memref<32x512xf32, #tpu.memory_space<hbm>>
      %dma_wait3A_12 = arith.constant 0 : i32
      %dma_wait3A_13 = tpu.memref_slice %arg4[%dma_wait3A_12, %multiple_of3A] : memref<32x16384xf32, #tpu.memory_space<hbm>> -> memref<32x512xf32, #tpu.memory_space<hbm>>
      tpu.wait_dma2 semaphore(%run_scoped3A : memref<!tpu.dma_semaphore, #tpu.memory_space<semaphore_mem>>) src(%arg7 : memref<32x512xf32, #tpu.memory_space<vmem>>) dst(%dma_wait3A_13 : memref<32x512xf32, #tpu.memory_space<hbm>>)
      tpu.yield
    }) : () -> ()
    return
  }
}

</mosaic_0001>

<sc_bundles>
// kernel: kernel.3.cloned.1.call-start
scs
__scs_entry_jumppad:
0x0: {  	(pc) =	sbr.rel $0x88, $3  }
0x1: {  	(tag) =	ssettag $0x0;
	lr =	simm.s32 $0x1  }
0x2: {  	[smem:$0x3F9F] =	sst lr;
	_ =	strace $0xD0000000  }
0x3: {  	_ = 	snop  }
0x4: {  	_ = 	snop  }
0x5: {  	_ = 	snop  }
0x6: {  	_ = 	snop  }
0x7: {  	_ = 	snop  }
__scs_overlays_trampoline_lowered:
0x8: {  	[smem:$0x3FAE] =	sst s0  }
0x9: {  	[smem:$0x3FAF] =	sst s1  }
0xa: {  	[smem:$0x3FB0] =	sst s2  }
0xb: {  	[smem:$0x3FB1] =	sst s3  }
0xc: {  	[smem:$0x3FB2] =	sst s4  }
0xd: {  	[smem:$0x3FB3] =	sst s5  }
0xe: {  	[smem:$0x3FB4] =	sst s6  }
0xf: {  	[smem:$0x3FB5] =	sst s7  }
0x10: {  	[smem:$0x3FB6] =	sst s8  }
0x11: {  	[smem:$0x3FB7] =	sst s9;
	s0 =	simm.s32 @!p0 $0x0  }
0x12: {  	s1 =	sld [smem:$0x3F9D];
	s0 =	simm.s32 @p0 $0x1  }
0x13: {  	[smem:$0x3FB8] =	sst s0;
	s0 =	simm.s32 @!p1 $0x0  }
0x14: {  	s2 =	sld [smem:$0x3F9C];
	s0 =	simm.s32 @p1 $0x1  }
0x15: {  	[smem:$0x3FB9] =	sst s0;
	s0 =	simm.s32 @!p2 $0x0  }
0x16: {  	s3 =	sld [smem:$0x3FDB];
	s0 =	simm.s32 @p2 $0x1  }
0x17: {  	s4 =	simm.s32 $0x1BF5;
	[smem:$0x3FBB] =	sst s0  }
0x18: {  	s0 =	sld [smem:$0x3F9E];
	_ =	swait.ge [sflag:s4], $0x0  }
0x19: {  	s7 =	sld [smem:$0x3F9F]  }
0x1a: {  	s8 =	sadd.s32 $0xFFFFE003, lr  }
0x1b: {  	s9 =	sadd.s32 $0xFFFFFEF7, lr;
	s5 =	simm.s32 $0xFFFFFFFF;
	p2 =	slt.u32 s8, $0xFFFFF086  }
0x1c: {  	p1 =	slt.u32 s9, $0xF7A;
	s5 =	simm.s32 @!p2 $0x0  }
0x1d: {  	s5 =	simm.s32 @p1 $0x1;
	p0 =	seq.s32 s7, s2  }
0x1e: {  	s7 =	smul.u32 @!p0 $0xF7A, s2;
	p2 =	seq.s32 @!p0 s5, $0x0  }
0x1f: {  	s9 =	smul.u32 $0xF7A, s1;
	s8 =	simm.s32 @!p0 $0x1BF5;
	p2 =	por !p2, p0  }
0x20: {  	[sflag:s8] =	ssyncset.s32 @!p0 $0xFFFFF086;
	s6 =	sadd.s32 @!p0 s3, s7;
	s7 =	simm.s32 @!p0 $0x108  }
0x21: {  	s3 =	sadd.s32 s3, s9;
	s6 =	sadd.s32 @!p0 $0x88, s6;
	s7 =	simm.s32 @p2 $0x1082  }
0x22: {  	[simem:s7], [sflag:s8] =	dma.local @!p0 [hbm:s6], $0xF7A  }
0x23: {  	s9 =	sor.u32 $0xD0000000, s2;
	s6 =	simm.s32 $0x108;
	_ =	swait.ge @!p0 [sflag:s8], $0x0  }
0x24: {  	s3 =	sadd.s32 $0x88, s3;
	s6 =	simm.s32 @!p1 $0x1082;
	[sflag:s4] =	ssyncset.s32 $0xFFFFF086  }
0x25: {  	[simem:s6], [sflag:s4] =	dma.local [hbm:s3], $0xF7A  }
0x26: {  	[smem:$0x3F9F] =	sst s1;
	(tag) =	ssettag s2;
	_ =	strace s9  }
0x27: {  	s1 =	sld [smem:$0x3FAF]  }
0x28: {  	s2 =	sld [smem:$0x3FB0]  }
0x29: {  	s4 =	sld [smem:$0x3FB2]  }
0x2a: {  	p0 =	seq.s32 s5, $0x0;
	s5 =	sld [smem:$0x3FB3]  }
0x2b: {  	s6 =	sld [smem:$0x3FB4]  }
0x2c: {  	s7 =	sld [smem:$0x3FB5]  }
0x2d: {  	s3 =	simm.s32 $0x108;
	s8 =	sld [smem:$0x3FB6]  }
0x2e: {  	s3 =	simm.s32 @!p0 $0x1082;
	s9 =	sld [smem:$0x3FB7]  }
0x2f: {  	lr =	sadd.s32 s0, s3;
	s0 =	sld [smem:$0x3FAE]  }
0x30: {  	s3 =	sld [smem:$0x3FB1]  }
0x31: {  	[smem:$0x3FBA] =	sst s10  }
0x32: {  	s10 =	sld [smem:$0x3FB8];
	_ =	sdelay $0x3  }
0x33: {  	p0 =	seq.s32 s10, $0x1;
	s10 =	sld [smem:$0x3FBA];
	_ =	sdelay $0x3  }
0x34: {  	[smem:$0x3FBA] =	sst s10  }
0x35: {  	s10 =	sld [smem:$0x3FB9];
	_ =	sdelay $0x3  }
0x36: {  	p1 =	seq.s32 s10, $0x1;
	s10 =	sld [smem:$0x3FBA];
	_ =	sdelay $0x3  }
0x37: {  	[smem:$0x3FBA] =	sst s10  }
0x38: {  	s10 =	sld [smem:$0x3FBB]  }
0x39: {  	_ = 	snop;
	(pc) =	sbr.ind lr, $3  }
0x3a: {  	_ = 	snop  }
0x3b: {  	_ = 	snop  }
0x3c: {  	p2 =	seq.s32 s10, $0x1;
	s10 =	sld [smem:$0x3FBA]  }
0x3d: {  	_ =	shalt  }
0x3e: {  	_ =	shalt  }
0x3f: {  	_ =	shalt  }
0x40: {  	_ =	shalt  }
0x41: {  	_ =	shalt  }
0x42: {  	_ =	shalt  }
0x43: {  	_ =	shalt  }
0x44: {  	_ =	shalt  }
0x45: {  	_ =	shalt  }
0x46: {  	_ =	shalt  }
0x47: {  	_ =	shalt  }
0x48: {  	_ =	shalt  }
0x49: {  	_ =	shalt  }
0x4a: {  	_ =	shalt  }
0x4b: {  	_ =	shalt  }
0x4c: {  	_ =	shalt  }
0x4d: {  	_ =	shalt  }
0x4e: {  	_ =	shalt  }
0x4f: {  	_ =	shalt  }
0x50: {  	_ =	shalt  }
0x51: {  	_ =	shalt  }
0x52: {  	_ =	shalt  }
0x53: {  	_ =	shalt  }
0x54: {  	_ =	shalt  }
0x55: {  	_ =	shalt  }
0x56: {  	_ =	shalt  }
0x57: {  	_ =	shalt  }
0x58: {  	_ =	shalt  }
0x59: {  	_ =	shalt  }
0x5a: {  	_ =	shalt  }
0x5b: {  	_ =	shalt  }
0x5c: {  	_ =	shalt  }
0x5d: {  	_ =	shalt  }
0x5e: {  	_ =	shalt  }
0x5f: {  	_ =	shalt  }
0x60: {  	_ =	shalt  }
0x61: {  	_ =	shalt  }
0x62: {  	_ =	shalt  }
0x63: {  	_ =	shalt  }
0x64: {  	_ =	shalt  }
0x65: {  	_ =	shalt  }
0x66: {  	_ =	shalt  }
0x67: {  	_ =	shalt  }
0x68: {  	_ =	shalt  }
0x69: {  	_ =	shalt  }
0x6a: {  	_ =	shalt  }
0x6b: {  	_ =	shalt  }
0x6c: {  	_ =	shalt  }
0x6d: {  	_ =	shalt  }
0x6e: {  	_ =	shalt  }
0x6f: {  	_ =	shalt  }
0x70: {  	_ =	shalt  }
0x71: {  	_ =	shalt  }
0x72: {  	_ =	shalt  }
0x73: {  	_ =	shalt  }
0x74: {  	_ =	shalt  }
0x75: {  	_ =	shalt  }
0x76: {  	_ =	shalt  }
0x77: {  	_ =	shalt  }
0x78: {  	_ =	shalt  }
0x79: {  	_ =	shalt  }
0x7a: {  	_ =	shalt  }
0x7b: {  	_ =	shalt  }
0x7c: {  	_ =	shalt  }
0x7d: {  	_ =	shalt  }
0x7e: {  	_ =	shalt  }
0x7f: {  	_ =	shalt  }
0x80: {  	_ =	shalt  }
0x81: {  	_ =	shalt  }
0x82: {  	_ =	shalt  }
0x83: {  	_ =	shalt  }
0x84: {  	_ =	shalt  }
0x85: {  	_ =	shalt  }
0x86: {  	_ =	shalt  }
0x87: {  	_ =	shalt  }
.Lfunc_end0:
.L_simem_size_0:
called_computation_lowered:
.L_overlay_start_0:
0x88: {  	s2 =	sld [smem:$0x3FD9]  }
0x89: {  	s3 =	sld [smem:$0x3FFE];
	_ =	sdelay $0x1  }
0x8a: {  	s1 =	srdreg.scid  }
0x8b: {  	s0 =	sand.u32 $0x1, s1  }
0x8c: {  	s18 =	sshll.u32 s0, $0xA;
	s2 =	sadd.s32 s3, s2  }
0x8d: {  	s2 =	sadd.s32 s2, s18  }
0x8e: {  	[smem:$0x3FC6] =	sst s2  }
0x8f: {  	_ = 	snop  }
0x90: {  	s2 =	sld [smem:$0x3FC9]  }
0x91: {  	s19 =	sld [smem:$0x3FC8]  }
0x92: {  	s4 =	sld [smem:$0x3FD0];
	(tm) =	ssettm $0x1  }
0x93: {  	s5 =	sld [smem:$0x3FFB];
	_ =	sdelay $0x3  }
0x94: {  	_ =	strace s5  }
0x95: {  	s5 =	sld [smem:$0x3FFC];
	_ =	sdelay $0x3  }
0x96: {  	_ =	strace s5  }
0x97: {  	s5 =	sld [smem:$0x3FFD];
	_ =	sdelay $0x3  }
0x98: {  	_ =	strace s5  }
0x99: {  	_ =	strace $0x8FFFFFFF  }
0x9a: {  	s20 =	sld [smem:$0x3FDB];
	_ =	sdelay $0x1  }
0x9b: {  	s6 =	simm.s32 $_scs_section_size  }
0x9c: {  	s7 =	simm.s32 $_size__tile_overlayer_lowered;
	s8 =	simm.s32 $_tile_overlayer_lowered  }
0x9d: {  	s23 =	simm.s32 $0x1BFF;
	s22 =	sshll.u32 s8, $0x1;
	s5 =	sadd.s32 s6, s20  }
0x9e: {  	s9 =	simm.s32 $0x0;
	s21 =	sshll.u32 s7, $0x1;
	s7 =	sadd.s32 s22, s5  }
0x9f: {  	[timem:s9], [sflag:s23] =	dma.local [hbm:s7], s21  }
0xa0: {  	_ =	swait.ge [sflag:s23], s21  }
0xa1: {  	s6 =	ssub.s32 $0x0, s21;
	[sflag:s23] =	ssyncset.done $0x0  }
0xa2: {  	[sflag:s23] =	ssyncadd.s32 s6;
	_ =	sdelay $0x1  }
0xa3: {  	s24 =	simm.s32 $0x1B8B  }
0xa4: {  	_ =	swait.ge [sflag:s24], $0x1  }
0xa5: {  	[sflag:s24] =	ssyncset.done $0x0  }
0xa6: {  	s25 =	simm.s32 $0x1B8E;
	[sflag:s24] =	ssyncadd.s32 $0xFFFFFFFF  }
0xa7: {  	s26 =	simm.s32 $execute0_lowered;
	[smem:$0x3FD2] =	sst s25  }
0xa8: {  	s6 =	sshll.u32 s26, $0x1;
	_ =	strace $0x80000046;
	[dreg:$0x1] =	wrdreg $0xFFFFFFFF  }
0xa9: {  	s28 =	simm.s32 $_size_execute0_lowered;
	s5 =	sadd.s32 s5, s6;
	[dreg:$0x0] =	wrdreg $0x0  }
0xaa: {  	s6 =	sshll.u32 s28, $0x1;
	[dreg:$0x2] =	wrdreg s5  }
0xab: {  	[dreg:$0x3] =	wrdreg s6  }
0xac: {  	[dreg:$0x4] =	wrdreg $0xC0  }
0xad: {  	_ =	task [dreg:s9], $0x5FFFF  }
0xae: {  	[dreg:$0x1] =	wrdreg $0xFFFFFFFF  }
0xaf: {  	[dreg:$0x0] =	wrdreg $0x60  }
0xb0: {  	[dreg:$0x2] =	wrdreg s19  }
0xb1: {  	[dreg:$0x3] =	wrdreg s2  }
0xb2: {  	[dreg:$0x4] =	wrdreg s4  }
0xb3: {  	[dreg:$0x5] =	wrdreg $0x9  }
0xb4: {  	_ =	task.clear_ibuf [dreg:s9], $0x6FFFF;
	_ =	strace $0x90000046  }
0xb5: {  	s29 =	simm.s32 $0x9;
	_ =	strace $0x80000048  }
0xb6: {  	_ =	swait.ge [sflag:s29], $0x1  }
0xb7: {  	[sflag:s29] =	ssyncadd.s32 $0xFFFFFFFF  }
0xb8: {  	_ =	strace $0x90000048  }
0xb9: {  	_ =	sfence  }
0xba: {  	s30 =	sld [smem:$0x0];
	_ =	sdelay $0x2  }
0xbb: {  	s31 =	sshll.u32 s1, $0xD;
	s1 =	sshrl.u32 s1, $0x2  }
0xbc: {  	s3 =	sand.u32 $0x4000, s31;
	s1 =	sadd.s32 s1, s30  }
0xbd: {  	s0 =	sor.u32 s3, s0;
	s1 =	sshll.u32 s1, $0x11  }
0xbe: {  	s0 =	sor.u32 s1, s0  }
0xbf: {  	s0 =	sadd.s32 $0x8F2B, s0  }
0xc0: {  	[sflag:s0] =	ssyncadd.remote.s32 $0x1  }
0xc1: {  	_ =	sfence.sel $0xFFFF  }
0xc2: {  	[dreg:$0x0] =	wrdreg $0xFFFFFFFF;
	(pc) =	sbr.abs _section_cstart, $3  }
0xc3: {  	[dreg:$0x1] =	wrdreg $0xFFFFFFFF  }
0xc4: {  	_ =	task.clear_ibuf [dreg:s9], $0x2FFFF;
	_ =	strace $0x9FFFFFFF  }
0xc5: {  	(tm) =	ssettm $0x7FFFFFFF  }
tec
execute0_lowered:
.L_overlay_start_1:
0x0: {  	(tag) =	ssettag $0x1  }
0x1: {  	s1 =	rddreg [dreg:$0x0]  }
0x2: {  	s4 =	rddreg [dreg:$0x1]  }
0x3: {  	s5 =	rddreg [dreg:$0x2]  }
0x4: {  	s0 =	rddreg [dreg:$0x3];
	s3 =	simm.s32 $0x0  }
0x5: {  	s7 =	simm.s32 $0x1200;
	[smem:$0x7FF] =	sst s3  }
0x6: {  	s19 =	simm.s32 $0x2200;
	_ =	strace $0x80000047;
	[dreg:$0x4] =	wrdreg s7  }
0x7: {  	s20 =	simm.s32 $0x3200;
	[dreg:$0x5] =	wrdreg s19  }
0x8: {  	s21 =	simm.s32 $0x4200;
	[dreg:$0x6] =	wrdreg s20  }
0x9: {  	s6 =	srdreg.scid;
	s23 =	simm.s32 $0x5200;
	[dreg:$0x7] =	wrdreg s21  }
0xa: {  	s2 =	stileid.u32;
	v0 =	vlaneseq.u32;
	s24 =	simm.s32 $0x6200;
	[dreg:$0x8] =	wrdreg s23  }
0xb: {  	s25 =	simm.s32 $0x7200;
	s26 =	simm.s32 $0x8200;
	v1 =	vmul.u32 $0x1000, v0;
	[dreg:$0x9] =	wrdreg s24  }
0xc: {  	s28 =	simm.s32 $0x9200;
	s29 =	simm.s32 $0xA200;
	[dreg:$0xa] =	wrdreg s25  }
0xd: {  	s30 =	simm.s32 $0xB200;
	s31 =	simm.s32 $0xC200;
	[dreg:$0xb] =	wrdreg s26;
	v2 =	vor.u32 $0x80, v1  }
0xe: {  	s10 =	simm.s32 $0xD200;
	s11 =	simm.s32 $0xE200;
	[dreg:$0xc] =	wrdreg s28;
	v3 =	vor.u32 $0x100, v1;
	v4 =	vor.u32 $0x180, v1;
	v5 =	vor.u32 $0x200, v1  }
0xf: {  	s12 =	simm.s32 $0xF200;
	s13 =	simm.s32 $0x1000;
	[dreg:$0xd] =	wrdreg s29;
	v6 =	vor.u32 $0x280, v1;
	v7 =	vor.u32 $0x300, v1;
	v8 =	vor.u32 $0x380, v1  }
0x10: {  	s14 =	simm.s32 $0x20000;
	s15 =	simm.s32 $0x0;
	[dreg:$0xe] =	wrdreg s30;
	v9 =	vor.u32 $0x400, v1;
	v10 =	vor.u32 $0x480, v1;
	v11 =	vor.u32 $0x500, v1  }
0x11: {  	s6 =	sand.u32 $0x1, s6;
	s22 =	sshll.u32 s2, $0xA;
	[dreg:$0xf] =	wrdreg s31;
	v12 =	vor.u32 $0x580, v1;
	v13 =	vor.u32 $0x600, v1;
	v14 =	vor.u32 $0x680, v1  }
0x12: {  	s8 =	ssub.s32 $0x2, s6;
	s6 =	sshll.u32 s6, $0x9;
	[dreg:$0x10] =	wrdreg s10;
	v15 =	vor.u32 $0x700, v1;
	v16 =	vor.u32 $0x780, v1;
	v17 =	vor.u32 $0x800, v1  }
0x13: {  	s7 =	simm.s32 $0x2;
	s10 =	simm.s32 $0x7A1400;
	[dreg:$0x11] =	wrdreg s11;
	v18 =	vor.u32 $0x880, v1;
	v19 =	vor.u32 $0x900, v1;
	v20 =	vor.u32 $0x980, v1  }
0x14: {  	s11 =	simm.s32 $0x200;
	s9 =	sshrl.u32 s8, $0x1;
	s6 =	sor.u32 s6, s22;
	v21 =	vor.u32 $0xA00, v1;
	v22 =	vor.u32 $0xA80, v1;
	v23 =	vor.u32 $0xB00, v1  }
0x15: {  	[dreg:$0x12] =	wrdreg s12;
	v24 =	vor.u32 $0xB80, v1;
	v25 =	vor.u32 $0xC00, v1;
	v26 =	vor.u32 $0xC80, v1;
	s8 =	ssub.s32 s8, s9;
	s9 =	sshrl.u32 s6, $0x3  }
0x16: {  	s12 =	simm.s32 $0x10200;
	v27 =	vor.u32 $0xD00, v1;
	v28 =	vor.u32 $0xD80, v1;
	v29 =	vor.u32 $0xE00, v1;
	s5 =	sadd.s32 s5, s6;
	s4 =	sadd.s32 s4, s9  }
0x17: {  	v30 =	vor.u32 $0xE80, v1;
	v31 =	vor.u32 $0xF00, v1;
	v32 =	vor.u32 $0xF80, v1;
	s6 =	smax.u32 s8, $0x1;
	s8 =	simm.s32 $0x1;
	s9 =	simm.s32 $0x400  }
.LBB2_1:
0x18: {  	[tilespmem:s3], [sflag:$0x2] =	stream.linear.gather [hbm4b:s4+s3], $0x200, $0x38;
	[tilespmem:$0x14200] =	vst v63  }
0x19: {  	_ =	swait.ge [sflag:s7], $0x200  }
0x1a: {  	[sflag:s7] =	ssyncset.done $0x0  }
0x1b: {  	s16 =	simm.s32 $0x0;
	s17 =	simm.s32 $0x0;
	[sflag:s7] =	ssyncadd.s32 $0xFFFFFE00  }
.LBB2_2:
0x1c: {  	v33 =	vld [tilespmem:s16+$0x0];
	_ =	sdelay $0x4  }
0x1d: {  	(v2sf) =	vpush v33, $0x0;
	_ =	sdelay $0x5  }
0x1e: {  	(v2sf) =	vpush v33, $0x1;
	_ =	sdelay $0x8  }
0x1f: {  	s18 =	spop (v2sf)  }
0x20: {  	(v2sf) =	vpush v33, $0x2;
	s19 =	sand.u32 $0x7F, s18  }
0x21: {  	s25 =	sshra.s32 s18, $0x1F;
	p1 =	slt.s32 s18, $0x1;
	p0 =	sne.s32 s19, $0x0  }
0x22: {  	s19 =	sshrl.u32 s25, $0x19;
	p0 =	por !p1, !p0  }
0x23: {  	s18 =	sadd.s32 s19, s18;
	s19 =	simm.s32 $0x1;
	p0 =	por !p0, !p0  }
0x24: {  	s18 =	sshrl.u32 s18, $0x7;
	s19 =	simm.s32 @!p0 $0x0  }
0x25: {  	s26 =	spop (v2sf);
	s18 =	ssub.s32 s18, s19  }
0x26: {  	s28 =	sand.u32 $0x7F, s26;
	s29 =	sshra.s32 s26, $0x1F;
	s18 =	sshll.u32 s18, $0x7  }
0x27: {  	(v2sf) =	vpush v33, $0x3;
	p2 =	slt.s32 s26, $0x1;
	p1 =	sne.s32 s28, $0x0;
	s18 =	sand.u32 $0x1FFFFF80, s18  }
0x28: {  	p0 =	por !p2, !p1;
	s19 =	sshrl.u32 s29, $0x19;
	s18 =	sadd.s32 s1, s18  }
0x29: {  	[tilespmem:s11], [sflag:$0x1] =	stream.strided.gather [hbm4b:s18+s9], $0x1000, s10, s9, $0x38;
	[tilespmem:$0x14200] =	vst v63  }
0x2a: {  	p0 =	por !p0, !p0;
	s18 =	sadd.s32 s19, s26;
	s19 =	simm.s32 $0x1  }
0x2b: {  	s18 =	sshrl.u32 s18, $0x7;
	s19 =	simm.s32 @!p0 $0x0  }
0x2c: {  	s18 =	ssub.s32 s18, s19  }
0x2d: {  	s18 =	sshll.u32 s18, $0x7  }
0x2e: {  	s18 =	sand.u32 $0x1FFFFF80, s18  }
0x2f: {  	s30 =	rddreg [dreg:$0x4];
	s18 =	sadd.s32 s1, s18;
	s31 =	spop (v2sf)  }
0x30: {  	[tilespmem:s30], [sflag:$0x1] =	stream.strided.gather [hbm4b:s18+s9], $0x1000, s10, s9, $0x38;
	[tilespmem:$0x14200] =	vst v63  }
0x31: {  	(v2sf) =	vpush v33, $0x4;
	s20 =	sand.u32 $0x7F, s31  }
0x32: {  	s21 =	sshra.s32 s31, $0x1F;
	p4 =	slt.s32 s31, $0x1;
	p3 =	sne.s32 s20, $0x0  }
0x33: {  	s19 =	sshrl.u32 s21, $0x19;
	p0 =	por !p4, !p3  }
0x34: {  	s18 =	sadd.s32 s19, s31;
	s19 =	simm.s32 $0x1;
	p0 =	por !p0, !p0  }
0x35: {  	s18 =	sshrl.u32 s18, $0x7;
	s19 =	simm.s32 @!p0 $0x0  }
0x36: {  	s22 =	rddreg [dreg:$0x5];
	s23 =	spop (v2sf);
	s18 =	ssub.s32 s18, s19  }
0x37: {  	s24 =	sand.u32 $0x7F, s23;
	s25 =	sshra.s32 s23, $0x1F;
	s18 =	sshll.u32 s18, $0x7  }
0x38: {  	(v2sf) =	vpush v33, $0x5;
	p6 =	slt.s32 s23, $0x1;
	p5 =	sne.s32 s24, $0x0;
	s18 =	sand.u32 $0x1FFFFF80, s18  }
0x39: {  	p0 =	por !p6, !p5;
	s19 =	sshrl.u32 s25, $0x19;
	s18 =	sadd.s32 s1, s18  }
0x3a: {  	[tilespmem:s22], [sflag:$0x1] =	stream.strided.gather [hbm4b:s18+s9], $0x1000, s10, s9, $0x38;
	[tilespmem:$0x14200] =	vst v63  }
0x3b: {  	p0 =	por !p0, !p0;
	s18 =	sadd.s32 s19, s23;
	s19 =	simm.s32 $0x1  }
0x3c: {  	s18 =	sshrl.u32 s18, $0x7;
	s19 =	simm.s32 @!p0 $0x0  }
0x3d: {  	s18 =	ssub.s32 s18, s19  }
0x3e: {  	s18 =	sshll.u32 s18, $0x7  }
0x3f: {  	s18 =	sand.u32 $0x1FFFFF80, s18  }
0x40: {  	s26 =	rddreg [dreg:$0x6];
	s18 =	sadd.s32 s1, s18;
	s28 =	spop (v2sf)  }
0x41: {  	[tilespmem:s26], [sflag:$0x1] =	stream.strided.gather [hbm4b:s18+s9], $0x1000, s10, s9, $0x38;
	[tilespmem:$0x14200] =	vst v63  }
0x42: {  	(v2sf) =	vpush v33, $0x6;
	s29 =	sand.u32 $0x7F, s28  }
0x43: {  	s30 =	sshra.s32 s28, $0x1F;
	p2 =	slt.s32 s28, $0x1;
	p1 =	sne.s32 s29, $0x0  }
0x44: {  	s19 =	sshrl.u32 s30, $0x19;
	p0 =	por !p2, !p1  }
0x45: {  	s18 =	sadd.s32 s19, s28;
	s19 =	simm.s32 $0x1;
	p0 =	por !p0, !p0  }
0x46: {  	s18 =	sshrl.u32 s18, $0x7;
	s19 =	simm.s32 @!p0 $0x0  }
0x47: {  	s31 =	rddreg [dreg:$0x7];
	s20 =	spop (v2sf);
	s18 =	ssub.s32 s18, s19  }
0x48: {  	s21 =	sand.u32 $0x7F, s20;
	s22 =	sshra.s32 s20, $0x1F;
	s18 =	sshll.u32 s18, $0x7  }
0x49: {  	(v2sf) =	vpush v33, $0x7;
	p4 =	slt.s32 s20, $0x1;
	p3 =	sne.s32 s21, $0x0;
	s18 =	sand.u32 $0x1FFFFF80, s18  }
0x4a: {  	p0 =	por !p4, !p3;
	s19 =	sshrl.u32 s22, $0x19;
	s18 =	sadd.s32 s1, s18  }
0x4b: {  	[tilespmem:s31], [sflag:$0x1] =	stream.strided.gather [hbm4b:s18+s9], $0x1000, s10, s9, $0x38;
	[tilespmem:$0x14200] =	vst v63  }
0x4c: {  	p0 =	por !p0, !p0;
	s18 =	sadd.s32 s19, s20;
	s19 =	simm.s32 $0x1  }
0x4d: {  	s18 =	sshrl.u32 s18, $0x7;
	s19 =	simm.s32 @!p0 $0x0  }
0x4e: {  	s18 =	ssub.s32 s18, s19  }
0x4f: {  	s18 =	sshll.u32 s18, $0x7  }
0x50: {  	s18 =	sand.u32 $0x1FFFFF80, s18  }
0x51: {  	s23 =	rddreg [dreg:$0x8];
	s18 =	sadd.s32 s1, s18;
	s24 =	spop (v2sf)  }
0x52: {  	[tilespmem:s23], [sflag:$0x1] =	stream.strided.gather [hbm4b:s18+s9], $0x1000, s10, s9, $0x38;
	[tilespmem:$0x14200] =	vst v63  }
0x53: {  	(v2sf) =	vpush v33, $0x8;
	s25 =	sand.u32 $0x7F, s24  }
0x54: {  	s26 =	sshra.s32 s24, $0x1F;
	p6 =	slt.s32 s24, $0x1;
	p5 =	sne.s32 s25, $0x0  }
0x55: {  	s19 =	sshrl.u32 s26, $0x19;
	p0 =	por !p6, !p5  }
0x56: {  	s18 =	sadd.s32 s19, s24;
	s19 =	simm.s32 $0x1;
	p0 =	por !p0, !p0  }
0x57: {  	s18 =	sshrl.u32 s18, $0x7;
	s19 =	simm.s32 @!p0 $0x0  }
0x58: {  	s28 =	rddreg [dreg:$0x9];
	s29 =	spop (v2sf);
	s18 =	ssub.s32 s18, s19  }
0x59: {  	s30 =	sand.u32 $0x7F, s29;
	s31 =	sshra.s32 s29, $0x1F;
	s18 =	sshll.u32 s18, $0x7  }
0x5a: {  	(v2sf) =	vpush v33, $0x9;
	p2 =	slt.s32 s29, $0x1;
	p1 =	sne.s32 s30, $0x0;
	s18 =	sand.u32 $0x1FFFFF80, s18  }
0x5b: {  	p0 =	por !p2, !p1;
	s19 =	sshrl.u32 s31, $0x19;
	s18 =	sadd.s32 s1, s18  }
0x5c: {  	[tilespmem:s28], [sflag:$0x1] =	stream.strided.gather [hbm4b:s18+s9], $0x1000, s10, s9, $0x38;
	[tilespmem:$0x14200] =	vst v63  }
0x5d: {  	p0 =	por !p0, !p0;
	s18 =	sadd.s32 s19, s29;
	s19 =	simm.s32 $0x1  }
0x5e: {  	s18 =	sshrl.u32 s18, $0x7;
	s19 =	simm.s32 @!p0 $0x0  }
0x5f: {  	s18 =	ssub.s32 s18, s19  }
0x60: {  	s18 =	sshll.u32 s18, $0x7  }
0x61: {  	s18 =	sand.u32 $0x1FFFFF80, s18  }
0x62: {  	s20 =	rddreg [dreg:$0xa];
	s18 =	sadd.s32 s1, s18;
	s21 =	spop (v2sf)  }
0x63: {  	[tilespmem:s20], [sflag:$0x1] =	stream.strided.gather [hbm4b:s18+s9], $0x1000, s10, s9, $0x38;
	[tilespmem:$0x14200] =	vst v63  }
0x64: {  	(v2sf) =	vpush v33, $0xA;
	s22 =	sand.u32 $0x7F, s21  }
0x65: {  	s23 =	sshra.s32 s21, $0x1F;
	p4 =	slt.s32 s21, $0x1;
	p3 =	sne.s32 s22, $0x0  }
0x66: {  	s19 =	sshrl.u32 s23, $0x19;
	p0 =	por !p4, !p3  }
0x67: {  	s18 =	sadd.s32 s19, s21;
	s19 =	simm.s32 $0x1;
	p0 =	por !p0, !p0  }
0x68: {  	s18 =	sshrl.u32 s18, $0x7;
	s19 =	simm.s32 @!p0 $0x0  }
0x69: {  	s24 =	rddreg [dreg:$0xb];
	s25 =	spop (v2sf);
	s18 =	ssub.s32 s18, s19  }
0x6a: {  	s26 =	sand.u32 $0x7F, s25;
	s28 =	sshra.s32 s25, $0x1F;
	s18 =	sshll.u32 s18, $0x7  }
0x6b: {  	(v2sf) =	vpush v33, $0xB;
	p6 =	slt.s32 s25, $0x1;
	p5 =	sne.s32 s26, $0x0;
	s18 =	sand.u32 $0x1FFFFF80, s18  }
0x6c: {  	p0 =	por !p6, !p5;
	s19 =	sshrl.u32 s28, $0x19;
	s18 =	sadd.s32 s1, s18  }
0x6d: {  	[tilespmem:s24], [sflag:$0x1] =	stream.strided.gather [hbm4b:s18+s9], $0x1000, s10, s9, $0x38;
	[tilespmem:$0x14200] =	vst v63  }
0x6e: {  	p0 =	por !p0, !p0;
	s18 =	sadd.s32 s19, s25;
	s19 =	simm.s32 $0x1  }
0x6f: {  	s18 =	sshrl.u32 s18, $0x7;
	s19 =	simm.s32 @!p0 $0x0  }
0x70: {  	s18 =	ssub.s32 s18, s19  }
0x71: {  	s18 =	sshll.u32 s18, $0x7  }
0x72: {  	s18 =	sand.u32 $0x1FFFFF80, s18  }
0x73: {  	s29 =	rddreg [dreg:$0xc];
	s18 =	sadd.s32 s1, s18;
	s30 =	spop (v2sf)  }
0x74: {  	[tilespmem:s29], [sflag:$0x1] =	stream.strided.gather [hbm4b:s18+s9], $0x1000, s10, s9, $0x38;
	[tilespmem:$0x14200] =	vst v63  }
0x75: {  	(v2sf) =	vpush v33, $0xC;
	s31 =	sand.u32 $0x7F, s30  }
0x76: {  	s20 =	sshra.s32 s30, $0x1F;
	p2 =	slt.s32 s30, $0x1;
	p1 =	sne.s32 s31, $0x0  }
0x77: {  	s19 =	sshrl.u32 s20, $0x19;
	p0 =	por !p2, !p1  }
0x78: {  	s18 =	sadd.s32 s19, s30;
	s19 =	simm.s32 $0x1;
	p0 =	por !p0, !p0  }
0x79: {  	s18 =	sshrl.u32 s18, $0x7;
	s19 =	simm.s32 @!p0 $0x0  }
0x7a: {  	s21 =	rddreg [dreg:$0xd];
	s22 =	spop (v2sf);
	s18 =	ssub.s32 s18, s19  }
0x7b: {  	s23 =	sand.u32 $0x7F, s22;
	s24 =	sshra.s32 s22, $0x1F;
	s18 =	sshll.u32 s18, $0x7  }
0x7c: {  	(v2sf) =	vpush v33, $0xD;
	p4 =	slt.s32 s22, $0x1;
	p3 =	sne.s32 s23, $0x0;
	s18 =	sand.u32 $0x1FFFFF80, s18  }
0x7d: {  	p0 =	por !p4, !p3;
	s19 =	sshrl.u32 s24, $0x19;
	s18 =	sadd.s32 s1, s18  }
0x7e: {  	[tilespmem:s21], [sflag:$0x1] =	stream.strided.gather [hbm4b:s18+s9], $0x1000, s10, s9, $0x38;
	[tilespmem:$0x14200] =	vst v63  }
0x7f: {  	p0 =	por !p0, !p0;
	s18 =	sadd.s32 s19, s22;
	s19 =	simm.s32 $0x1  }
0x80: {  	s18 =	sshrl.u32 s18, $0x7;
	s19 =	simm.s32 @!p0 $0x0  }
0x81: {  	s18 =	ssub.s32 s18, s19  }
0x82: {  	s18 =	sshll.u32 s18, $0x7  }
0x83: {  	s18 =	sand.u32 $0x1FFFFF80, s18  }
0x84: {  	s25 =	rddreg [dreg:$0xe];
	s18 =	sadd.s32 s1, s18;
	s26 =	spop (v2sf)  }
0x85: {  	[tilespmem:s25], [sflag:$0x1] =	stream.strided.gather [hbm4b:s18+s9], $0x1000, s10, s9, $0x38;
	[tilespmem:$0x14200] =	vst v63  }
0x86: {  	(v2sf) =	vpush v33, $0xE;
	s28 =	sand.u32 $0x7F, s26  }
0x87: {  	s29 =	sshra.s32 s26, $0x1F;
	p6 =	slt.s32 s26, $0x1;
	p5 =	sne.s32 s28, $0x0  }
0x88: {  	s19 =	sshrl.u32 s29, $0x19;
	p0 =	por !p6, !p5  }
0x89: {  	s18 =	sadd.s32 s19, s26;
	s19 =	simm.s32 $0x1;
	p0 =	por !p0, !p0  }
0x8a: {  	s18 =	sshrl.u32 s18, $0x7;
	s19 =	simm.s32 @!p0 $0x0  }
0x8b: {  	s30 =	rddreg [dreg:$0xf];
	s31 =	spop (v2sf);
	s18 =	ssub.s32 s18, s19  }
0x8c: {  	s20 =	sand.u32 $0x7F, s31;
	s21 =	sshra.s32 s31, $0x1F;
	s18 =	sshll.u32 s18, $0x7  }
0x8d: {  	(v2sf) =	vpush v33, $0xF;
	p2 =	slt.s32 s31, $0x1;
	p1 =	sne.s32 s20, $0x0;
	s18 =	sand.u32 $0x1FFFFF80, s18  }
0x8e: {  	p0 =	por !p2, !p1;
	s19 =	sshrl.u32 s21, $0x19;
	s18 =	sadd.s32 s1, s18  }
0x8f: {  	[tilespmem:s30], [sflag:$0x1] =	stream.strided.gather [hbm4b:s18+s9], $0x1000, s10, s9, $0x38;
	[tilespmem:$0x14200] =	vst v63  }
0x90: {  	p0 =	por !p0, !p0;
	s18 =	sadd.s32 s19, s31;
	s19 =	simm.s32 $0x1  }
0x91: {  	s18 =	sshrl.u32 s18, $0x7;
	s19 =	simm.s32 @!p0 $0x0  }
0x92: {  	s18 =	ssub.s32 s18, s19  }
0x93: {  	s18 =	sshll.u32 s18, $0x7  }
0x94: {  	s18 =	sand.u32 $0x1FFFFF80, s18  }
0x95: {  	s22 =	rddreg [dreg:$0x10];
	s18 =	sadd.s32 s1, s18;
	s23 =	spop (v2sf)  }
0x96: {  	[tilespmem:s22], [sflag:$0x1] =	stream.strided.gather [hbm4b:s18+s9], $0x1000, s10, s9, $0x38;
	[tilespmem:$0x14200] =	vst v63  }
0x97: {  	s24 =	sand.u32 $0x7F, s23  }
0x98: {  	s25 =	sshra.s32 s23, $0x1F;
	p4 =	slt.s32 s23, $0x1;
	p3 =	sne.s32 s24, $0x0  }
0x99: {  	s19 =	sshrl.u32 s25, $0x19;
	p0 =	por !p4, !p3  }
0x9a: {  	s18 =	sadd.s32 s19, s23;
	s19 =	simm.s32 $0x1;
	p0 =	por !p0, !p0  }
0x9b: {  	s18 =	sshrl.u32 s18, $0x7;
	s19 =	simm.s32 @!p0 $0x0  }
0x9c: {  	s26 =	rddreg [dreg:$0x11];
	s28 =	spop (v2sf);
	s18 =	ssub.s32 s18, s19  }
0x9d: {  	s29 =	sand.u32 $0x7F, s28;
	s30 =	sshra.s32 s28, $0x1F;
	s18 =	sshll.u32 s18, $0x7  }
0x9e: {  	p6 =	slt.s32 s28, $0x1;
	p5 =	sne.s32 s29, $0x0;
	s18 =	sand.u32 $0x1FFFFF80, s18  }
0x9f: {  	p0 =	por !p6, !p5;
	s19 =	sshrl.u32 s30, $0x19;
	s18 =	sadd.s32 s1, s18  }
0xa0: {  	[tilespmem:s26], [sflag:$0x1] =	stream.strided.gather [hbm4b:s18+s9], $0x1000, s10, s9, $0x38;
	[tilespmem:$0x14200] =	vst v63  }
0xa1: {  	p0 =	por !p0, !p0;
	s18 =	sadd.s32 s19, s28;
	s19 =	simm.s32 $0x1  }
0xa2: {  	s18 =	sshrl.u32 s18, $0x7;
	s19 =	simm.s32 @!p0 $0x0  }
0xa3: {  	s18 =	ssub.s32 s18, s19  }
0xa4: {  	s18 =	sshll.u32 s18, $0x7  }
0xa5: {  	s18 =	sand.u32 $0x1FFFFF80, s18  }
0xa6: {  	s31 =	rddreg [dreg:$0x12];
	s18 =	sadd.s32 s1, s18  }
0xa7: {  	[tilespmem:s31], [sflag:$0x1] =	stream.strided.gather [hbm4b:s18+s9], $0x1000, s10, s9, $0x38;
	[tilespmem:$0x14200] =	vst v63  }
0xa8: {  	_ =	swait.ge [sflag:s8], $0x1000  }
0xa9: {  	[sflag:s8] =	ssyncset.done $0x0  }
0xaa: {  	[sflag:s8] =	ssyncadd.s32 $0xFFFFF000  }
0xab: {  	_ =	swait.ge [sflag:s8], $0x1000  }
0xac: {  	[sflag:s8] =	ssyncset.done $0x0  }
0xad: {  	[sflag:s8] =	ssyncadd.s32 $0xFFFFF000  }
0xae: {  	_ =	swait.ge [sflag:s8], $0x1000  }
0xaf: {  	[sflag:s8] =	ssyncset.done $0x0  }
0xb0: {  	[sflag:s8] =	ssyncadd.s32 $0xFFFFF000  }
0xb1: {  	_ =	swait.ge [sflag:s8], $0x1000  }
0xb2: {  	[sflag:s8] =	ssyncset.done $0x0  }
0xb3: {  	[sflag:s8] =	ssyncadd.s32 $0xFFFFF000  }
0xb4: {  	_ =	swait.ge [sflag:s8], $0x1000  }
0xb5: {  	[sflag:s8] =	ssyncset.done $0x0  }
0xb6: {  	[sflag:s8] =	ssyncadd.s32 $0xFFFFF000  }
0xb7: {  	_ =	swait.ge [sflag:s8], $0x1000  }
0xb8: {  	[sflag:s8] =	ssyncset.done $0x0  }
0xb9: {  	[sflag:s8] =	ssyncadd.s32 $0xFFFFF000  }
0xba: {  	_ =	swait.ge [sflag:s8], $0x1000  }
0xbb: {  	[sflag:s8] =	ssyncset.done $0x0  }
0xbc: {  	[sflag:s8] =	ssyncadd.s32 $0xFFFFF000  }
0xbd: {  	_ =	swait.ge [sflag:s8], $0x1000  }
0xbe: {  	[sflag:s8] =	ssyncset.done $0x0  }
0xbf: {  	[sflag:s8] =	ssyncadd.s32 $0xFFFFF000  }
0xc0: {  	_ =	swait.ge [sflag:s8], $0x1000  }
0xc1: {  	[sflag:s8] =	ssyncset.done $0x0  }
0xc2: {  	[sflag:s8] =	ssyncadd.s32 $0xFFFFF000  }
0xc3: {  	_ =	swait.ge [sflag:s8], $0x1000  }
0xc4: {  	[sflag:s8] =	ssyncset.done $0x0  }
0xc5: {  	[sflag:s8] =	ssyncadd.s32 $0xFFFFF000  }
0xc6: {  	_ =	swait.ge [sflag:s8], $0x1000  }
0xc7: {  	[sflag:s8] =	ssyncset.done $0x0  }
0xc8: {  	[sflag:s8] =	ssyncadd.s32 $0xFFFFF000  }
0xc9: {  	_ =	swait.ge [sflag:s8], $0x1000  }
0xca: {  	[sflag:s8] =	ssyncset.done $0x0  }
0xcb: {  	[sflag:s8] =	ssyncadd.s32 $0xFFFFF000  }
0xcc: {  	_ =	swait.ge [sflag:s8], $0x1000  }
0xcd: {  	v34 =	vshra.s32 v33, $0x1F;
	[sflag:s8] =	ssyncset.done $0x0  }
0xce: {  	v34 =	vshrl.u32 v34, $0x19;
	[sflag:s8] =	ssyncadd.s32 $0xFFFFF000  }
0xcf: {  	v34 =	vadd.s32 v34, v33;
	_ =	swait.ge [sflag:s8], $0x1000  }
0xd0: {  	v34 =	vshrl.u32 v34, $0x7;
	[sflag:s8] =	ssyncset.done $0x0  }
0xd1: {  	v34 =	vshll.u32 v34, $0x7;
	[sflag:s8] =	ssyncadd.s32 $0xFFFFF000  }
0xd2: {  	v33 =	vsub.s32 v33, v34;
	_ =	swait.ge [sflag:s8], $0x1000  }
0xd3: {  	v34 =	vadd.s32 v1, v33;
	[sflag:s8] =	ssyncset.done $0x0  }
0xd4: {  	[sflag:s8] =	ssyncadd.s32 $0xFFFFF000  }
0xd5: {  	v35 =	vmov s17;
	_ =	swait.ge [sflag:s8], $0x1000  }
0xd6: {  	v36 =	vor.u32 s17, v0;
	v35 =	vshll.u32 v35, $0x3;
	[sflag:s8] =	ssyncset.done $0x0  }
0xd7: {  	v36 =	vand.u32 $0x7F, v36;
	v37 =	vand.u32 $0xC00, v35;
	[sflag:s8] =	ssyncadd.s32 $0xFFFFF000  }
0xd8: {  	v37 =	vor.u32 v36, v37;
	v34 =	vld.idx.msk [tilespmem:v34+s11+$0x0], $0xffff  }
0xd9: {  	v38 =	vadd.s32 v2, v33;
	_ =	sdelay $0x3  }
0xda: {  	[tilespmem:v37+s12+$0x0] =	vst.idx.msk $0xffff, v34  }
0xdb: {  	v53 =	vor.u32 $0x80, v37;
	v34 =	vld.idx.msk [tilespmem:v38+s11+$0x0], $0xffff  }
0xdc: {  	v39 =	vadd.s32 v3, v33;
	_ =	sdelay $0x3  }
0xdd: {  	[tilespmem:v53+s12+$0x0] =	vst.idx.msk $0xffff, v34  }
0xde: {  	v54 =	vor.u32 $0x100, v37;
	v34 =	vld.idx.msk [tilespmem:v39+s11+$0x0], $0xffff  }
0xdf: {  	v55 =	vadd.s32 v4, v33;
	_ =	sdelay $0x3  }
0xe0: {  	[tilespmem:v54+s12+$0x0] =	vst.idx.msk $0xffff, v34  }
0xe1: {  	v56 =	vor.u32 $0x180, v37;
	v34 =	vld.idx.msk [tilespmem:v55+s11+$0x0], $0xffff  }
0xe2: {  	v57 =	vadd.s32 v5, v33;
	_ =	sdelay $0x3  }
0xe3: {  	[tilespmem:v56+s12+$0x0] =	vst.idx.msk $0xffff, v34  }
0xe4: {  	v58 =	vor.u32 $0x200, v37;
	v34 =	vld.idx.msk [tilespmem:v57+s11+$0x0], $0xffff  }
0xe5: {  	v59 =	vadd.s32 v6, v33;
	_ =	sdelay $0x3  }
0xe6: {  	[tilespmem:v58+s12+$0x0] =	vst.idx.msk $0xffff, v34  }
0xe7: {  	v60 =	vor.u32 $0x280, v37;
	v34 =	vld.idx.msk [tilespmem:v59+s11+$0x0], $0xffff  }
0xe8: {  	v61 =	vadd.s32 v7, v33;
	_ =	sdelay $0x3  }
0xe9: {  	[tilespmem:v60+s12+$0x0] =	vst.idx.msk $0xffff, v34  }
0xea: {  	v62 =	vor.u32 $0x300, v37;
	v34 =	vld.idx.msk [tilespmem:v61+s11+$0x0], $0xffff  }
0xeb: {  	v63 =	vadd.s32 v8, v33;
	_ =	sdelay $0x3  }
0xec: {  	[tilespmem:v62+s12+$0x0] =	vst.idx.msk $0xffff, v34;
	v34 =	vor.u32 v35, v36  }
0xed: {  	v41 =	vld.idx.msk [tilespmem:v63+s11+$0x0], $0xffff;
	v36 =	vor.u32 $0x380, v34  }
0xee: {  	v42 =	vadd.s32 v9, v33;
	_ =	sdelay $0x3  }
0xef: {  	[tilespmem:v36+s12+$0x0] =	vst.idx.msk $0xffff, v41  }
0xf0: {  	v43 =	vor.u32 $0x1000, v37;
	v35 =	vld.idx.msk [tilespmem:v42+s11+$0x0], $0xffff  }
0xf1: {  	v44 =	vadd.s32 v10, v33;
	_ =	sdelay $0x3  }
0xf2: {  	[tilespmem:v43+s12+$0x0] =	vst.idx.msk $0xffff, v35  }
0xf3: {  	v45 =	vor.u32 $0x1080, v37;
	v35 =	vld.idx.msk [tilespmem:v44+s11+$0x0], $0xffff  }
0xf4: {  	v46 =	vadd.s32 v11, v33;
	_ =	sdelay $0x3  }
0xf5: {  	[tilespmem:v45+s12+$0x0] =	vst.idx.msk $0xffff, v35  }
0xf6: {  	v47 =	vor.u32 $0x1100, v37;
	v35 =	vld.idx.msk [tilespmem:v46+s11+$0x0], $0xffff  }
0xf7: {  	v48 =	vadd.s32 v12, v33;
	_ =	sdelay $0x3  }
0xf8: {  	[tilespmem:v47+s12+$0x0] =	vst.idx.msk $0xffff, v35  }
0xf9: {  	v49 =	vor.u32 $0x1180, v37;
	v35 =	vld.idx.msk [tilespmem:v48+s11+$0x0], $0xffff  }
0xfa: {  	v50 =	vadd.s32 v13, v33;
	_ =	sdelay $0x3  }
0xfb: {  	[tilespmem:v49+s12+$0x0] =	vst.idx.msk $0xffff, v35  }
0xfc: {  	v51 =	vor.u32 $0x1200, v37;
	v35 =	vld.idx.msk [tilespmem:v50+s11+$0x0], $0xffff  }
0xfd: {  	v52 =	vadd.s32 v14, v33;
	_ =	sdelay $0x3  }
0xfe: {  	[tilespmem:v51+s12+$0x0] =	vst.idx.msk $0xffff, v35  }
0xff: {  	v53 =	vor.u32 $0x1280, v37;
	v35 =	vld.idx.msk [tilespmem:v52+s11+$0x0], $0xffff  }
0x100: {  	v54 =	vadd.s32 v15, v33;
	_ =	sdelay $0x3  }
0x101: {  	[tilespmem:v53+s12+$0x0] =	vst.idx.msk $0xffff, v35  }
0x102: {  	v55 =	vor.u32 $0x1300, v37;
	v35 =	vld.idx.msk [tilespmem:v54+s11+$0x0], $0xffff  }
0x103: {  	v56 =	vadd.s32 v16, v33;
	_ =	sdelay $0x3  }
0x104: {  	[tilespmem:v55+s12+$0x0] =	vst.idx.msk $0xffff, v35  }
0x105: {  	v57 =	vor.u32 $0x1380, v34;
	v35 =	vld.idx.msk [tilespmem:v56+s11+$0x0], $0xffff  }
0x106: {  	v58 =	vadd.s32 v17, v33;
	_ =	sdelay $0x3  }
0x107: {  	[tilespmem:v57+s12+$0x0] =	vst.idx.msk $0xffff, v35  }
0x108: {  	v59 =	vor.u32 $0x2000, v37;
	v35 =	vld.idx.msk [tilespmem:v58+s11+$0x0], $0xffff  }
0x109: {  	v60 =	vadd.s32 v18, v33;
	_ =	sdelay $0x3  }
0x10a: {  	[tilespmem:v59+s12+$0x0] =	vst.idx.msk $0xffff, v35  }
0x10b: {  	v61 =	vor.u32 $0x2080, v37;
	v35 =	vld.idx.msk [tilespmem:v60+s11+$0x0], $0xffff  }
0x10c: {  	v62 =	vadd.s32 v19, v33;
	_ =	sdelay $0x3  }
0x10d: {  	[tilespmem:v61+s12+$0x0] =	vst.idx.msk $0xffff, v35  }
0x10e: {  	v63 =	vor.u32 $0x2100, v37;
	v35 =	vld.idx.msk [tilespmem:v62+s11+$0x0], $0xffff  }
0x10f: {  	v40 =	vadd.s32 v20, v33;
	_ =	sdelay $0x3  }
0x110: {  	[tilespmem:v63+s12+$0x0] =	vst.idx.msk $0xffff, v35  }
0x111: {  	v41 =	vor.u32 $0x2180, v37;
	v35 =	vld.idx.msk [tilespmem:v40+s11+$0x0], $0xffff  }
0x112: {  	v42 =	vadd.s32 v21, v33;
	_ =	sdelay $0x3  }
0x113: {  	[tilespmem:v41+s12+$0x0] =	vst.idx.msk $0xffff, v35  }
0x114: {  	v43 =	vor.u32 $0x2200, v37;
	v35 =	vld.idx.msk [tilespmem:v42+s11+$0x0], $0xffff  }
0x115: {  	v44 =	vadd.s32 v22, v33;
	_ =	sdelay $0x3  }
0x116: {  	[tilespmem:v43+s12+$0x0] =	vst.idx.msk $0xffff, v35  }
0x117: {  	v45 =	vor.u32 $0x2280, v37;
	v35 =	vld.idx.msk [tilespmem:v44+s11+$0x0], $0xffff  }
0x118: {  	v46 =	vadd.s32 v23, v33;
	_ =	sdelay $0x3  }
0x119: {  	[tilespmem:v45+s12+$0x0] =	vst.idx.msk $0xffff, v35  }
0x11a: {  	v47 =	vor.u32 $0x2300, v37;
	v35 =	vld.idx.msk [tilespmem:v46+s11+$0x0], $0xffff  }
0x11b: {  	v48 =	vadd.s32 v24, v33;
	_ =	sdelay $0x3  }
0x11c: {  	[tilespmem:v47+s12+$0x0] =	vst.idx.msk $0xffff, v35  }
0x11d: {  	v49 =	vor.u32 $0x2380, v34;
	v35 =	vld.idx.msk [tilespmem:v48+s11+$0x0], $0xffff  }
0x11e: {  	v50 =	vadd.s32 v25, v33;
	_ =	sdelay $0x3  }
0x11f: {  	[tilespmem:v49+s12+$0x0] =	vst.idx.msk $0xffff, v35  }
0x120: {  	v51 =	vor.u32 $0x3000, v37;
	v35 =	vld.idx.msk [tilespmem:v50+s11+$0x0], $0xffff  }
0x121: {  	v52 =	vadd.s32 v26, v33;
	_ =	sdelay $0x3  }
0x122: {  	[tilespmem:v51+s12+$0x0] =	vst.idx.msk $0xffff, v35  }
0x123: {  	v53 =	vor.u32 $0x3080, v37;
	v35 =	vld.idx.msk [tilespmem:v52+s11+$0x0], $0xffff  }
0x124: {  	v54 =	vadd.s32 v27, v33;
	_ =	sdelay $0x3  }
0x125: {  	[tilespmem:v53+s12+$0x0] =	vst.idx.msk $0xffff, v35  }
0x126: {  	v55 =	vor.u32 $0x3100, v37;
	v35 =	vld.idx.msk [tilespmem:v54+s11+$0x0], $0xffff  }
0x127: {  	v56 =	vadd.s32 v28, v33;
	_ =	sdelay $0x3  }
0x128: {  	[tilespmem:v55+s12+$0x0] =	vst.idx.msk $0xffff, v35  }
0x129: {  	v57 =	vor.u32 $0x3180, v37;
	v35 =	vld.idx.msk [tilespmem:v56+s11+$0x0], $0xffff  }
0x12a: {  	v58 =	vadd.s32 v29, v33;
	_ =	sdelay $0x3  }
0x12b: {  	[tilespmem:v57+s12+$0x0] =	vst.idx.msk $0xffff, v35  }
0x12c: {  	v59 =	vor.u32 $0x3200, v37;
	v35 =	vld.idx.msk [tilespmem:v58+s11+$0x0], $0xffff  }
0x12d: {  	v60 =	vadd.s32 v30, v33;
	_ =	sdelay $0x3  }
0x12e: {  	[tilespmem:v59+s12+$0x0] =	vst.idx.msk $0xffff, v35  }
0x12f: {  	v61 =	vor.u32 $0x3280, v37;
	v35 =	vld.idx.msk [tilespmem:v60+s11+$0x0], $0xffff  }
0x130: {  	v62 =	vadd.s32 v31, v33;
	_ =	sdelay $0x3  }
0x131: {  	[tilespmem:v61+s12+$0x0] =	vst.idx.msk $0xffff, v35  }
0x132: {  	v63 =	vor.u32 $0x3300, v37;
	v35 =	vld.idx.msk [tilespmem:v62+s11+$0x0], $0xffff  }
0x133: {  	v33 =	vadd.s32 v32, v33;
	_ =	sdelay $0x3  }
0x134: {  	[tilespmem:v63+s12+$0x0] =	vst.idx.msk $0xffff, v35  }
0x135: {  	p0 =	sne.s32 s17, $0x1F0;
	v34 =	vor.u32 $0x3380, v34;
	v33 =	vld.idx.msk [tilespmem:v33+s11+$0x0], $0xffff  }
.Ltmp0:
0x136: {  	_ = 	snop;
	(pc) =	sbr.rel @p0 .LBB2_2-.Ltmp0, $2  }
0x137: {  	_ =	sdelay $0x2  }
0x138: {  	s16 =	sadd.s32 $0x10, s16;
	s17 =	sadd.s32 $0x10, s17;
	[tilespmem:v34+s12+$0x0] =	vst.idx.msk $0xffff, v33  }
0x139: {  	s15 =	sadd.s32 $0x1, s15  }
0x13a: {  	p0 =	sne.s32 s15, s6  }
.Ltmp1:
0x13b: {  	_ = 	snop;
	(pc) =	sbr.rel @p0 .LBB2_1-.Ltmp1, $4  }
0x13c: {  	[hbm4b:s5+s13] =	stream.strided.scatter [tilespmem:s12], [sflag:$0x2], $0x4000, s14, s13, $0x38;
	[tilespmem:$0x14200] =	vst v63  }
0x13d: {  	_ =	swait.ge [sflag:s7], $0x4000  }
0x13e: {  	[sflag:s7] =	ssyncset.done $0x0  }
0x13f: {  	[sflag:s7] =	ssyncadd.s32 $0xFFFFC000  }
0x140: {  	_ =	sfence.sel $0x180000  }
0x141: {  	[bflag:$0x0] =	sbarrier.arrive $0xFFFF  }
0x142: {  	p0 =	sne.s32 s2, $0x0;
	_ =	strace $0x90000047  }
0x143: {  	s0 =	sadd.s32 @!p0 $0x100000, s0;
	[bflag:$0x2] =	sbarrier.arrive $0xFFFF  }
0x144: {  	[sflag:s0] =	ssyncadd.tile.s32 @!p0 $0x1;
	_ =	shalt  }
.Lfunc_end2:
_tile_overlayer_lowered:
.L_overlay_start_2:
0x145: {  	(tag) =	ssettag $0x2  }
0x146: {  	s0 =	rddreg [dreg:$0x0];
	s2 =	stileid.u32  }
0x147: {  	s1 =	rddreg [dreg:$0x1];
	p0 =	sne.s32 s2, $0x0  }
0x148: {  	s3 =	rddreg [dreg:$0x2];
	[bflag:$0x3] =	sbarrier.arrive $0xFFFF;
	s2 =	simm.s32 @!p0 $0x1C02  }
0x149: {  	[timem:s3], [sflag:s2] =	dma.local @!p0 [hbm:s0], s1  }
0x14a: {  	s0 =	simm.s32 @!p0 $0x2  }
0x14b: {  	_ =	swait.ge @!p0 [sflag:s0], s1  }
0x14c: {  	s1 =	ssub.s32 @!p0 $0x0, s1;
	[sflag:s0] =	ssyncset.done @!p0 $0x0  }
0x14d: {  	[sflag:s0] =	ssyncadd.s32 @!p0 s1  }
0x14e: {  	[bflag:$0x3] =	sbarrier.arrive $0xFFFF  }
0x14f: {  	_ =	shalt  }

</sc_bundles>
